<compile_context>
chip_gen: v7x
topology: tpu7x:2x2x1
jax: 0.10.2.dev20260603
libtpu: 0.0.44.dev20260713+nightly
codegen_flags: <defaults>
</compile_context>

<pallas_src>
import jax
import jax.numpy as jnp
from jax import lax
from jax.experimental import pallas as pl
from jax.experimental.pallas import tpu as pltpu

D = 41
CF = 64
FH = 16
FW = 44
NX = 128
NY = 128
NBINS = NX * NY
BN = 12
POS = BN * FH * FW
PPB = FH * FW
DP = 48
DUMP = NBINS

def _head_body(x_ref, w1_ref, b1_ref, w2_ref, b2_ref, depth_ref, ctx_ref):
    x = x_ref[...]
    h = jnp.dot(x, w1_ref[...], preferred_element_type=jnp.float32) + b1_ref[...]
    h = jnp.maximum(h, 0.0)
    y = jnp.dot(h, w2_ref[...], preferred_element_type=jnp.float32) + b2_ref[...]
    lane = lax.broadcasted_iota(jnp.int32, y.shape, 1)
    dmask = lane < D
    ym = jnp.where(dmask, y, jnp.float32(-1e30))
    mx = jnp.max(ym, axis=1, keepdims=True)
    e = jnp.where(dmask, jnp.exp(y - mx), 0.0)
    s = jnp.sum(e, axis=1, keepdims=True)
    sm = e / s
    depth_ref[...] = sm[:, :DP]
    ctx_ref[...] = y[:, D:D + CF]


def _head_call(x, w1, b1, w2, b2):
    return pl.pallas_call(
        _head_body,
        grid=(BN,),
        in_specs=[
            pl.BlockSpec((PPB, 768), lambda i: (i, 0)),
            pl.BlockSpec((768, 256), lambda i: (0, 0)),
            pl.BlockSpec((1, 256), lambda i: (0, 0)),
            pl.BlockSpec((256, 128), lambda i: (0, 0)),
            pl.BlockSpec((1, 128), lambda i: (0, 0)),
        ],
        out_specs=[
            pl.BlockSpec((PPB, DP), lambda i: (i, 0)),
            pl.BlockSpec((PPB, CF), lambda i: (i, 0)),
        ],
        out_shape=[
            jax.ShapeDtypeStruct((POS, DP), jnp.float32),
            jax.ShapeDtypeStruct((POS, CF), jnp.float32),
        ],
        interpret=False,
    )(x, w1, b1, w2, b2)


_PADB = 136
_PADT = NBINS + 2 * _PADB
_RB = 1024
_NRB = NBINS // _RB


def _merge_body(parts_ref, bev_ref):
    bev_ref[...] = parts_ref[0] + parts_ref[1]


def _merge_call(parts):
    return pl.pallas_call(
        _merge_body,
        grid=(_NRB,),
        in_specs=[pl.BlockSpec((2, _RB, CF), lambda i: (0, i, 0))],
        out_specs=pl.BlockSpec((_RB, CF), lambda i: (i, 0)),
        out_shape=jax.ShapeDtypeStruct((NBINS, CF), jnp.float32),
        interpret=False,
    )(parts)


def _conv_body(pad_ref, w9_ref, b_ref, hw_ref, hb_ref, out_ref):
    base = pl.program_id(0) * _RB
    xcol = lax.broadcasted_iota(jnp.int32, (_RB, 1), 0) % NX
    acc = jnp.broadcast_to(b_ref[...], (_RB, CF))
    for ky in (-1, 0, 1):
        for kx in (-1, 0, 1):
            sl = pad_ref[pl.ds(base + _PADB + ky * NX + kx, _RB), :]
            if kx == -1:
                sl = jnp.where(xcol != 0, sl, 0.0)
            elif kx == 1:
                sl = jnp.where(xcol != NX - 1, sl, 0.0)
            k = (ky + 1) * 3 + (kx + 1)
            acc = acc + jnp.dot(sl, w9_ref[k], preferred_element_type=jnp.float32)
    feat = jnp.maximum(acc, 0.0)
    out_ref[...] = jnp.dot(feat, hw_ref[...], preferred_element_type=jnp.float32) + hb_ref[...]


def _conv_call(padded, w9, b, hw, hb):
    return pl.pallas_call(
        _conv_body,
        grid=(_NRB,),
        in_specs=[
            pl.BlockSpec((_PADT, CF), lambda i: (0, 0)),
            pl.BlockSpec((9, CF, CF), lambda i: (0, 0, 0)),
            pl.BlockSpec((1, CF), lambda i: (0, 0)),
            pl.BlockSpec((CF, 8), lambda i: (0, 0)),
            pl.BlockSpec((1, 8), lambda i: (0, 0)),
        ],
        out_specs=pl.BlockSpec((_RB, 8), lambda i: (i, 0)),
        out_shape=jax.ShapeDtypeStruct((NBINS, 8), jnp.float32),
        interpret=False,
    )(padded, w9, b, hw, hb)


def _scatter_xla(ctx, depth, ranks):
    vals = depth[:, :, None] * ctx[:, None, :]
    flat = vals.reshape(POS * DP, CF)
    r = ranks.reshape(POS * DP)
    acc = jnp.zeros((NBINS + 1, CF), jnp.float32).at[r].add(flat)
    out = jnp.zeros((2, NBINS + 128, CF), jnp.float32)
    return out.at[0, :NBINS + 1].set(acc)


def kernel(curr_imgs, rots, trans, intrins, post_rots, post_trans, bb_w, bb_b,
           bn1_g, bn1_b, bn1_m, bn1_v, dn_w, dn_b, enc_w, enc_b, bn2_g, bn2_b,
           bn2_m, bn2_v, hd_w, hd_b):
    B, N = curr_imgs.shape[0], curr_imgs.shape[1]

    x = curr_imgs.reshape(BN, 3, FH, 16, FW, 16)
    x = x.transpose(0, 2, 4, 1, 3, 5).reshape(POS, 768)

    s1 = bn1_g / jnp.sqrt(bn1_v + 1e-5)
    w1 = bb_w.reshape(256, 768).T * s1[None, :]
    b1 = (s1 * (bb_b - bn1_m) + bn1_b).reshape(1, 256)
    w2 = jnp.zeros((256, 128), jnp.float32).at[:, :105].set(dn_w.reshape(105, 256).T)
    b2 = jnp.zeros((1, 128), jnp.float32).at[0, :105].set(dn_b)

    depth, ctx = _head_call(x, w1, b1, w2, b2)

    ds_f = jnp.broadcast_to(jnp.arange(4.0, 45.0, 1.0).reshape(D, 1, 1), (D, FH, FW))
    xs_f = jnp.broadcast_to(jnp.linspace(0.0, 703.0, FW).reshape(1, 1, FW), (D, FH, FW))
    ys_f = jnp.broadcast_to(jnp.linspace(0.0, 255.0, FH).reshape(1, FH, 1), (D, FH, FW))
    frustum = jnp.stack([xs_f, ys_f, ds_f], -1)
    points = frustum[None, None] - post_trans[:, :, None, None, None, :]
    points = jnp.einsum('bnij,bndhwj->bndhwi', jnp.linalg.inv(post_rots), points)
    points = jnp.concatenate(
        [points[..., :2] * points[..., 2:3], points[..., 2:3]], axis=-1)
    combined = jnp.einsum('bnij,bnjk->bnik', rots, jnp.linalg.inv(intrins))
    points = jnp.einsum('bnij,bndhwj->bndhwi', combined, points) + trans[:, :, None, None, None, :]
    gf = points.reshape(BN * D * FH * FW, 3)
    dxv = jnp.array([0.8, 0.8, 20.0], jnp.float32)
    bxv = jnp.array([-50.8, -50.8, 0.0], jnp.float32)
    coords = ((gf - (bxv - dxv / 2.0)) / dxv).astype(jnp.int32)
    rk = coords[:, 0] + coords[:, 1] * NX + coords[:, 2] * NBINS
    kept = (rk >= 0) & (rk < NBINS)
    rk = jnp.where(kept, rk, DUMP)
    ranks = rk.reshape(BN, D, PPB).transpose(0, 2, 1)
    ranks = jnp.concatenate(
        [ranks, jnp.full((BN, PPB, DP - D), DUMP, jnp.int32)], axis=2)

    parts = _scatter_xla(ctx, depth, ranks.reshape(POS, DP))

    s2 = bn2_g / jnp.sqrt(bn2_v + 1e-5)
    wsum = enc_w[:, :CF] + enc_w[:, CF:]
    w9 = (wsum.transpose(2, 3, 1, 0) * s2[None, None, None, :]).reshape(9, CF, CF)
    bb = (s2 * (enc_b - bn2_m) + bn2_b).reshape(1, CF)
    hw = jnp.zeros((CF, 8), jnp.float32).at[:, :7].set(hd_w.reshape(7, CF).T)
    hb = jnp.zeros((1, 8), jnp.float32).at[0, :7].set(hd_b)

    bev2d = _merge_call(parts)
    padded = jnp.pad(bev2d, ((_PADB, _PADB), (0, 0)))
    out2d = _conv_call(padded, w9, bb, hw, hb)

    bev = bev2d.reshape(1, NY, NX, CF).transpose(0, 3, 1, 2)
    out = out2d[:, :7].reshape(1, NY, NX, 7).transpose(0, 3, 1, 2)
    return (out, bev)

# --- scband reference (transcript-rebuilt; emitter-appended) ---
"""Pipeline reference for scband-bevdet4-d-29626684408007 (READ-ONLY COPY).

The authoritative reference and input builder live on the scoring server;
editing this copy changes nothing except your own understanding.
"""

import jax, jax.numpy as jnp
import numpy as np

D = 41
CF = 64
FH = 16
FW = 44
NX = 128
NY = 128
NZ = 1
NBINS = NX * NY * NZ

def conv2d(x, w, b, stride=1, padding=0):
    out = jax.lax.conv_general_dilated(x, w, (stride, stride), [(padding, padding), (padding, padding)], dimension_numbers=('NCHW', 'OIHW', 'NCHW'))
    return out + b[None, :, None, None]

def bnorm(x, g, b, m, v, eps=1e-5):
    return g[None, :, None, None] * (x - m[None, :, None, None]) / jnp.sqrt(v[None, :, None, None] + eps) + b[None, :, None, None]

def make_frustum():
    ds = jnp.broadcast_to(jnp.arange(4.0, 45.0, 1.0).reshape(D, 1, 1), (D, FH, FW))
    xs = jnp.broadcast_to(jnp.linspace(0.0, 703.0, FW).reshape(1, 1, FW), (D, FH, FW))
    ys = jnp.broadcast_to(jnp.linspace(0.0, 255.0, FH).reshape(1, FH, 1), (D, FH, FW))
    return jnp.stack([xs, ys, ds], -1)

def setup_inputs(seed: int = 0):
    key = jax.random.key(seed)
    ks = jax.random.split(key, 12)
    B, N = 2, 6
    inp = {}
    inp['curr_imgs'] = jax.random.normal(ks[0], (B, N, 3, 256, 704), jnp.float32)
    inp['rots'] = jax.random.normal(ks[1], (B, N, 3, 3), jnp.float32)
    inp['trans'] = jax.random.normal(ks[2], (B, N, 3), jnp.float32)
    inp['intrins'] = jax.random.normal(ks[3], (B, N, 3, 3), jnp.float32)
    inp['post_rots'] = jax.random.normal(ks[4], (B, N, 3, 3), jnp.float32)
    inp['post_trans'] = jax.random.normal(ks[5], (B, N, 3), jnp.float32)
    inp['bb_w'] = jax.random.normal(ks[6], (256, 3, 16, 16), jnp.float32) * 0.02
    inp['bb_b'] = jnp.zeros((256,), jnp.float32)
    inp['bn1_g'] = jnp.ones((256,), jnp.float32)
    inp['bn1_b'] = jnp.zeros((256,), jnp.float32)
    inp['bn1_m'] = jnp.zeros((256,), jnp.float32)
    inp['bn1_v'] = jnp.ones((256,), jnp.float32)
    inp['dn_w'] = jax.random.normal(ks[7], (105, 256, 1, 1), jnp.float32) * 0.02
    inp['dn_b'] = jnp.zeros((105,), jnp.float32)
    inp['enc_w'] = jax.random.normal(ks[8], (64, 128, 3, 3), jnp.float32) * 0.02
    inp['enc_b'] = jnp.zeros((64,), jnp.float32)
    inp['bn2_g'] = jnp.ones((64,), jnp.float32)
    inp['bn2_b'] = jnp.zeros((64,), jnp.float32)
    inp['bn2_m'] = jnp.zeros((64,), jnp.float32)
    inp['bn2_v'] = jnp.ones((64,), jnp.float32)
    inp['hd_w'] = jax.random.normal(ks[9], (7, 64, 1, 1), jnp.float32) * 0.02
    inp['hd_b'] = jnp.zeros((7,), jnp.float32)
    return inp

def reference(curr_imgs, rots, trans, intrins, post_rots, post_trans, bb_w, bb_b, bn1_g, bn1_b, bn1_m, bn1_v, dn_w, dn_b, enc_w, enc_b, bn2_g, bn2_b, bn2_m, bn2_v, hd_w, hd_b):
    B, N = curr_imgs.shape[0], curr_imgs.shape[1]
    imgs = curr_imgs.reshape(B * N, 3, 256, 704)
    feats = jax.nn.relu(bnorm(conv2d(imgs, bb_w, bb_b, stride=16), bn1_g, bn1_b, bn1_m, bn1_v))
    x = conv2d(feats, dn_w, dn_b)
    depth = jax.nn.softmax(x[:, :D], axis=1)
    context = x[:, D:]
    outer = context[:, :, None, :, :] * depth[:, None, :, :, :]
    outer = outer.reshape(B, N, CF, D, FH, FW).transpose(0, 1, 3, 4, 5, 2)
    frustum = make_frustum()
    points = frustum[None, None] - post_trans[:, :, None, None, None, :]
    points = jnp.einsum('bnij,bndhwj->bndhwi', jnp.linalg.inv(post_rots), points)
    points = jnp.concatenate([points[..., :2] * points[..., 2:3], points[..., 2:3]], axis=-1)
    combined = jnp.einsum('bnij,bnjk->bnik', rots, jnp.linalg.inv(intrins))
    points = jnp.einsum('bnij,bndhwj->bndhwi', combined, points) + trans[:, :, None, None, None, :]
    nprime = B * N * D * FH * FW
    xf = outer.reshape(nprime, CF)
    gf = points.reshape(nprime, 3)
    dxv = jnp.array([0.8, 0.8, 20.0], jnp.float32)
    bxv = jnp.array([-50.8, -50.8, 0.0], jnp.float32)
    coords = ((gf - (bxv - dxv / 2.0)) / dxv).astype(jnp.int32)
    ranks = coords[:, 0] + coords[:, 1] * NX + coords[:, 2] * NX * NY
    kept = (ranks >= 0) & (ranks < NBINS)
    ranks_safe = jnp.where(kept, ranks, 0)
    xm = xf * kept[:, None].astype(xf.dtype)
    bev_flat = jnp.zeros((NBINS, CF), xf.dtype).at[ranks_safe].add(xm)
    bev = bev_flat.reshape(NZ, NY, NX, CF).transpose(0, 3, 1, 2)
    feat = jnp.concatenate([bev, bev], axis=1)
    feat = jax.nn.relu(bnorm(conv2d(feat, enc_w, enc_b, padding=1), bn2_g, bn2_b, bn2_m, bn2_v))
    out = conv2d(feat, hd_w, hd_b)
    return (out, bev)

if __name__ == "__main__":
    import jax
    _d = setup_inputs()
    print(jax.jit(kernel)(*tuple(_d.values())))

</pallas_src>

<mosaic_0001>
module attributes {stable_mosaic.version = 14 : i64} {
  func.func @_head_body(%arg0: i32, %arg1: memref<704x768xf32, #tpu.memory_space<vmem>>, %arg2: memref<768x256xf32, #tpu.memory_space<vmem>>, %arg3: memref<1x256xf32, #tpu.memory_space<vmem>>, %arg4: memref<256x128xf32, #tpu.memory_space<vmem>>, %arg5: memref<1x128xf32, #tpu.memory_space<vmem>>, %arg6: memref<704x48xf32, #tpu.memory_space<vmem>>, %arg7: memref<704x64xf32, #tpu.memory_space<vmem>>) attributes {dimension_semantics = [#tpu.dimension_semantics<arbitrary>], iteration_bounds = array<i64: 12>, scalar_prefetch = 0 : i64, scratch_operands = 0 : i64, tpu.core_type = #tpu.core_type<tc>, window_params = [{transform_indices = @transform_0, window_bounds = array<i64: 704, 768>}, {pipeline_mode = #tpu.pipeline_mode<synchronous>, transform_indices = @transform_1, window_bounds = array<i64: 768, 256>}, {pipeline_mode = #tpu.pipeline_mode<synchronous>, transform_indices = @transform_2, window_bounds = array<i64: 1, 256>}, {pipeline_mode = #tpu.pipeline_mode<synchronous>, transform_indices = @transform_3, window_bounds = array<i64: 256, 128>}, {pipeline_mode = #tpu.pipeline_mode<synchronous>, transform_indices = @transform_4, window_bounds = array<i64: 1, 128>}, {transform_indices = @transform_5, window_bounds = array<i64: 704, 48>}, {transform_indices = @transform_6, window_bounds = array<i64: 704, 64>}]} {
    %get3A = arith.constant 0 : index
    %get3A_0 = arith.constant 0 : index
    %get3A_1 = vector.load %arg1[%get3A, %get3A_0] : memref<704x768xf32, #tpu.memory_space<vmem>>, vector<704x768xf32>
    %get3A_2 = arith.constant 0 : index
    %get3A_3 = arith.constant 0 : index
    %get3A_4 = vector.load %arg2[%get3A_2, %get3A_3] : memref<768x256xf32, #tpu.memory_space<vmem>>, vector<768x256xf32>
    %dot_general3A = arith.constant dense<0.000000e+00> : vector<704x256xf32>
    %dot_general3A_5 = tpu.matmul %get3A_1, %get3A_4, %dot_general3A {dimension_numbers = #tpu.dot_dimension_numbers<[1], [0], [0], [1], [0, 0, 1, 1], [], []>, transpose_lhs_hint = false} : vector<704x768xf32>, vector<768x256xf32>, vector<704x256xf32> -> vector<704x256xf32>
    %get3A_6 = arith.constant 0 : index
    %get3A_7 = arith.constant 0 : index
    %get3A_8 = vector.load %arg3[%get3A_6, %get3A_7] : memref<1x256xf32, #tpu.memory_space<vmem>>, vector<1x256xf32>
    %add3A = vector.broadcast %get3A_8 : vector<1x256xf32> to vector<704x256xf32>
    %add3A_9 = arith.addf %dot_general3A_5, %add3A : vector<704x256xf32>
    %max3A = arith.constant 0.000000e+00 : f32
    %max3A_10 = vector.broadcast %max3A : f32 to vector<704x256xf32>
    %max3A_11 = arith.maximumf %add3A_9, %max3A_10 : vector<704x256xf32>
    %get3A_12 = arith.constant 0 : index
    %get3A_13 = arith.constant 0 : index
    %get3A_14 = vector.load %arg4[%get3A_12, %get3A_13] : memref<256x128xf32, #tpu.memory_space<vmem>>, vector<256x128xf32>
    %dot_general3A_15 = arith.constant dense<0.000000e+00> : vector<704x128xf32>
    %dot_general3A_16 = tpu.matmul %max3A_11, %get3A_14, %dot_general3A_15 {dimension_numbers = #tpu.dot_dimension_numbers<[1], [0], [0], [1], [0, 0, 1, 1], [], []>, transpose_lhs_hint = false} : vector<704x256xf32>, vector<256x128xf32>, vector<704x128xf32> -> vector<704x128xf32>
    %get3A_17 = arith.constant 0 : index
    %get3A_18 = arith.constant 0 : index
    %get3A_19 = vector.load %arg5[%get3A_17, %get3A_18] : memref<1x128xf32, #tpu.memory_space<vmem>>, vector<1x128xf32>
    %add3A_20 = vector.broadcast %get3A_19 : vector<1x128xf32> to vector<704x128xf32>
    %add3A_21 = arith.addf %dot_general3A_16, %add3A_20 : vector<704x128xf32>
    %iota3A = tpu.iota {dimensions = array<i32: 1>} : vector<704x128xi32>
    %lt3A = arith.constant 41 : i32
    %lt3A_22 = vector.broadcast %lt3A : i32 to vector<704x128xi32>
    %lt3A_23 = arith.cmpi slt, %iota3A, %lt3A_22 : vector<704x128xi32>
    %jit3A = arith.constant -1.000000e+30 : f32
    %broadcast_in_dim3A = vector.broadcast %jit3A : f32 to vector<704x128xf32>
    %select_n3A = arith.select %lt3A_23, %add3A_21, %broadcast_in_dim3A : vector<704x128xi1>, vector<704x128xf32>
    %reduce_max3A = arith.constant dense<0xFF800000> : vector<704xf32>
    %reduce_max3A_24 = vector.multi_reduction <maximumf>, %select_n3A, %reduce_max3A [1] : vector<704x128xf32> to vector<704xf32>
    %broadcast_in_dim3A_25 = vector.shape_cast %reduce_max3A_24 : vector<704xf32> to vector<704x1xf32>
    %sub3A = vector.broadcast %broadcast_in_dim3A_25 : vector<704x1xf32> to vector<704x128xf32>
    %sub3A_26 = arith.subf %add3A_21, %sub3A : vector<704x128xf32>
    %exp3A = math.exp %sub3A_26 : vector<704x128xf32>
    %jit3A_27 = arith.constant 0.000000e+00 : f32
    %broadcast_in_dim3A_28 = vector.broadcast %jit3A_27 : f32 to vector<704x128xf32>
    %select_n3A_29 = arith.select %lt3A_23, %exp3A, %broadcast_in_dim3A_28 : vector<704x128xi1>, vector<704x128xf32>
    %reduce_sum3A = arith.constant dense<0.000000e+00> : vector<704xf32>
    %reduce_sum3A_30 = vector.multi_reduction <add>, %select_n3A_29, %reduce_sum3A [1] : vector<704x128xf32> to vector<704xf32>
    %broadcast_in_dim3A_31 = vector.shape_cast %reduce_sum3A_30 : vector<704xf32> to vector<704x1xf32>
    %div3A = vector.broadcast %broadcast_in_dim3A_31 : vector<704x1xf32> to vector<704x128xf32>
    %div3A_32 = arith.divf %select_n3A_29, %div3A : vector<704x128xf32>
    %slice3A = vector.extract_strided_slice %div3A_32 {offsets = [0, 0], sizes = [704, 48], strides = [1, 1]} : vector<704x128xf32> to vector<704x48xf32>
    %swap3A = arith.constant 0 : index
    %swap3A_33 = arith.constant 0 : index
    %swap3A_34 = vector.load %arg6[%swap3A, %swap3A_33] : memref<704x48xf32, #tpu.memory_space<vmem>>, vector<704x48xf32>
    tpu.vector_store %arg6[%swap3A, %swap3A_33], %slice3A {strides = array<i32>} : memref<704x48xf32, #tpu.memory_space<vmem>>, vector<704x48xf32>,
    %slice3A_35 = vector.extract_strided_slice %add3A_21 {offsets = [0, 41], sizes = [704, 64], strides = [1, 1]} : vector<704x128xf32> to vector<704x64xf32>
    %swap3A_36 = arith.constant 0 : index
    %swap3A_37 = arith.constant 0 : index
    %swap3A_38 = vector.load %arg7[%swap3A_36, %swap3A_37] : memref<704x64xf32, #tpu.memory_space<vmem>>, vector<704x64xf32>
    tpu.vector_store %arg7[%swap3A_36, %swap3A_37], %slice3A_35 {strides = array<i32>} : memref<704x64xf32, #tpu.memory_space<vmem>>, vector<704x64xf32>,
    return
  }
  func.func @transform_0(%arg0: i32) -> (i32, i32) {
    %c0_i32 = arith.constant 0 : i32
    %c0_i32_0 = arith.constant 0 : i32
    return %arg0, %c0_i32 : i32, i32
  }
  func.func @transform_1(%arg0: i32) -> (i32, i32) {
    %c0_i32 = arith.constant 0 : i32
    %c0_i32_0 = arith.constant 0 : i32
    %c0_i32_1 = arith.constant 0 : i32
    return %c0_i32, %c0_i32_0 : i32, i32
  }
  func.func @transform_2(%arg0: i32) -> (i32, i32) {
    %c0_i32 = arith.constant 0 : i32
    %c0_i32_0 = arith.constant 0 : i32
    %c0_i32_1 = arith.constant 0 : i32
    return %c0_i32, %c0_i32_0 : i32, i32
  }
  func.func @transform_3(%arg0: i32) -> (i32, i32) {
    %c0_i32 = arith.constant 0 : i32
    %c0_i32_0 = arith.constant 0 : i32
    %c0_i32_1 = arith.constant 0 : i32
    return %c0_i32, %c0_i32_0 : i32, i32
  }
  func.func @transform_4(%arg0: i32) -> (i32, i32) {
    %c0_i32 = arith.constant 0 : i32
    %c0_i32_0 = arith.constant 0 : i32
    %c0_i32_1 = arith.constant 0 : i32
    return %c0_i32, %c0_i32_0 : i32, i32
  }
  func.func @transform_5(%arg0: i32) -> (i32, i32) {
    %c0_i32 = arith.constant 0 : i32
    %c0_i32_0 = arith.constant 0 : i32
    return %arg0, %c0_i32 : i32, i32
  }
  func.func @transform_6(%arg0: i32) -> (i32, i32) {
    %c0_i32 = arith.constant 0 : i32
    %c0_i32_0 = arith.constant 0 : i32
    return %arg0, %c0_i32 : i32, i32
  }
}

module attributes {stable_mosaic.version = 14 : i64} {
  func.func @_merge_body(%arg0: i32, %arg1: memref<2x1024x64xf32, #tpu.memory_space<vmem>>, %arg2: memref<1024x64xf32, #tpu.memory_space<vmem>>) attributes {dimension_semantics = [#tpu.dimension_semantics<arbitrary>], iteration_bounds = array<i64: 16>, scalar_prefetch = 0 : i64, scratch_operands = 0 : i64, tpu.core_type = #tpu.core_type<tc>, window_params = [{transform_indices = @transform_0, window_bounds = array<i64: 2, 1024, 64>}, {transform_indices = @transform_1, window_bounds = array<i64: 1024, 64>}]} {
    %get3A = arith.constant 0 : index
    %get3A_0 = arith.constant 0 : index
    %get3A_1 = arith.constant 0 : index
    %get3A_2 = vector.load %arg1[%get3A, %get3A_0, %get3A_1] : memref<2x1024x64xf32, #tpu.memory_space<vmem>>, vector<1x1024x64xf32>
    %get3A_3 = vector.shape_cast %get3A_2 : vector<1x1024x64xf32> to vector<1024x64xf32>
    %get3A_4 = arith.constant 1 : index
    %get3A_5 = arith.constant 0 : index
    %get3A_6 = arith.constant 0 : index
    %get3A_7 = vector.load %arg1[%get3A_4, %get3A_5, %get3A_6] : memref<2x1024x64xf32, #tpu.memory_space<vmem>>, vector<1x1024x64xf32>
    %get3A_8 = vector.shape_cast %get3A_7 : vector<1x1024x64xf32> to vector<1024x64xf32>
    %add3A = arith.addf %get3A_3, %get3A_8 : vector<1024x64xf32>
    %swap3A = arith.constant 0 : index
    %swap3A_9 = arith.constant 0 : index
    %swap3A_10 = vector.load %arg2[%swap3A, %swap3A_9] : memref<1024x64xf32, #tpu.memory_space<vmem>>, vector<1024x64xf32>
    tpu.vector_store %arg2[%swap3A, %swap3A_9], %add3A {strides = array<i32>} : memref<1024x64xf32, #tpu.memory_space<vmem>>, vector<1024x64xf32>,
    return
  }
  func.func @transform_0(%arg0: i32) -> (i32, i32, i32) {
    %c0_i32 = arith.constant 0 : i32
    %c0_i32_0 = arith.constant 0 : i32
    %c0_i32_1 = arith.constant 0 : i32
    return %c0_i32, %arg0, %c0_i32_0 : i32, i32, i32
  }
  func.func @transform_1(%arg0: i32) -> (i32, i32) {
    %c0_i32 = arith.constant 0 : i32
    %c0_i32_0 = arith.constant 0 : i32
    return %arg0, %c0_i32 : i32, i32
  }
}

module attributes {stable_mosaic.version = 14 : i64} {
  func.func @_conv_body(%arg0: i32, %arg1: memref<16656x64xf32, #tpu.memory_space<vmem>>, %arg2: memref<9x64x64xf32, #tpu.memory_space<vmem>>, %arg3: memref<1x64xf32, #tpu.memory_space<vmem>>, %arg4: memref<64x8xf32, #tpu.memory_space<vmem>>, %arg5: memref<1x8xf32, #tpu.memory_space<vmem>>, %arg6: memref<1024x8xf32, #tpu.memory_space<vmem>>) attributes {dimension_semantics = [#tpu.dimension_semantics<arbitrary>], iteration_bounds = array<i64: 16>, scalar_prefetch = 0 : i64, scratch_operands = 0 : i64, tpu.core_type = #tpu.core_type<tc>, window_params = [{pipeline_mode = #tpu.pipeline_mode<synchronous>, transform_indices = @transform_0, window_bounds = array<i64: 16656, 64>}, {pipeline_mode = #tpu.pipeline_mode<synchronous>, transform_indices = @transform_1, window_bounds = array<i64: 9, 64, 64>}, {pipeline_mode = #tpu.pipeline_mode<synchronous>, transform_indices = @transform_2, window_bounds = array<i64: 1, 64>}, {pipeline_mode = #tpu.pipeline_mode<synchronous>, transform_indices = @transform_3, window_bounds = array<i64: 64, 8>}, {pipeline_mode = #tpu.pipeline_mode<synchronous>, transform_indices = @transform_4, window_bounds = array<i64: 1, 8>}, {transform_indices = @transform_5, window_bounds = array<i64: 1024, 8>}]} {
    %mul3A = arith.constant 1024 : i32
    %mul3A_0 = arith.muli %arg0, %mul3A : i32
    %iota3A = tpu.iota {dimensions = array<i32: 0>} : vector<1024x1xi32>
    %jit3A = arith.constant 128 : i32
    %eq3A = arith.constant 0 : i32
    %eq3A_1 = arith.cmpi eq, %jit3A, %eq3A : i32
    %jit3A_2 = arith.constant 1 : i32
    %select_n3A = arith.select %eq3A_1, %jit3A_2, %jit3A : i32
    %rem3A = vector.broadcast %select_n3A : i32 to vector<1024x1xi32>
    %rem3A_3 = arith.remsi %iota3A, %rem3A : vector<1024x1xi32>
    %ne3A = arith.constant 0 : i32
    %ne3A_4 = vector.broadcast %ne3A : i32 to vector<1024x1xi32>
    %ne3A_5 = arith.cmpi ne, %rem3A_3, %ne3A_4 : vector<1024x1xi32>
    %lt3A = arith.constant 0 : i32
    %lt3A_6 = vector.broadcast %lt3A : i32 to vector<1024x1xi32>
    %lt3A_7 = arith.cmpi slt, %rem3A_3, %lt3A_6 : vector<1024x1xi32>
    %lt3A_8 = arith.constant 0 : i32
    %lt3A_9 = arith.cmpi slt, %select_n3A, %lt3A_8 : i32
    %ne3A_10 = vector.broadcast %lt3A_9 : i1 to vector<1024x1xi1>
    %ne3A_11 = vector.broadcast %ne3A_10 : vector<1024x1xi1> to vector<1024x1xi1>
    %ne3A_12 = arith.xori %lt3A_7, %ne3A_11 : vector<1024x1xi1>
    %and3A = arith.andi %ne3A_12, %ne3A_5 : vector<1024x1xi1>
    %add3A = vector.broadcast %select_n3A : i32 to vector<1024x1xi32>
    %add3A_13 = arith.addi %rem3A_3, %add3A : vector<1024x1xi32>
    %select_n3A_14 = arith.select %and3A, %add3A_13, %rem3A_3 : vector<1024x1xi1>, vector<1024x1xi32>
    %get3A = arith.constant 0 : index
    %get3A_15 = arith.constant 0 : index
    %get3A_16 = vector.load %arg3[%get3A, %get3A_15] : memref<1x64xf32, #tpu.memory_space<vmem>>, vector<1x64xf32>
    %broadcast_in_dim3A = vector.shape_cast %get3A_16 : vector<1x64xf32> to vector<1x64xf32>
    %broadcast_in_dim3A_17 = vector.broadcast %broadcast_in_dim3A : vector<1x64xf32> to vector<1024x64xf32>
    %add3A_18 = arith.constant 136 : i32
    %add3A_19 = arith.addi %mul3A_0, %add3A_18 : i32
    %add3A_20 = arith.constant -128 : i32
    %add3A_21 = arith.addi %add3A_19, %add3A_20 : i32
    %add3A_22 = arith.constant -1 : i32
    %add3A_23 = arith.addi %add3A_21, %add3A_22 : i32
    %get3A_24 = arith.index_cast %add3A_23 : i32 to index
    %get3A_25 = arith.constant 0 : index
    %get3A_26 = vector.load %arg1[%get3A_24, %get3A_25] : memref<16656x64xf32, #tpu.memory_space<vmem>>, vector<1024x64xf32>
    %ne3A_27 = arith.constant 0 : i32
    %ne3A_28 = vector.broadcast %ne3A_27 : i32 to vector<1024x1xi32>
    %ne3A_29 = arith.cmpi ne, %select_n3A_14, %ne3A_28 : vector<1024x1xi32>
    %jit3A_30 = arith.constant 0.000000e+00 : f32
    %broadcast_in_dim3A_31 = vector.shape_cast %ne3A_29 : vector<1024x1xi1> to vector<1024x1xi1>
    %broadcast_in_dim3A_32 = vector.broadcast %broadcast_in_dim3A_31 : vector<1024x1xi1> to vector<1024x64xi1>
    %broadcast_in_dim3A_33 = vector.broadcast %jit3A_30 : f32 to vector<1024x64xf32>
    %select_n3A_34 = arith.select %broadcast_in_dim3A_32, %get3A_26, %broadcast_in_dim3A_33 : vector<1024x64xi1>, vector<1024x64xf32>
    %get3A_35 = arith.constant 0 : index
    %get3A_36 = arith.constant 0 : index
    %get3A_37 = arith.constant 0 : index
    %get3A_38 = vector.load %arg2[%get3A_35, %get3A_36, %get3A_37] : memref<9x64x64xf32, #tpu.memory_space<vmem>>, vector<1x64x64xf32>
    %get3A_39 = vector.shape_cast %get3A_38 : vector<1x64x64xf32> to vector<64x64xf32>
    %dot_general3A = arith.constant dense<0.000000e+00> : vector<1024x64xf32>
    %dot_general3A_40 = tpu.matmul %select_n3A_34, %get3A_39, %dot_general3A {dimension_numbers = #tpu.dot_dimension_numbers<[1], [0], [0], [1], [0, 0, 1, 1], [], []>, transpose_lhs_hint = false} : vector<1024x64xf32>, vector<64x64xf32>, vector<1024x64xf32> -> vector<1024x64xf32>
    %add3A_41 = arith.addf %broadcast_in_dim3A_17, %dot_general3A_40 : vector<1024x64xf32>
    %add3A_42 = arith.constant 136 : i32
    %add3A_43 = arith.addi %mul3A_0, %add3A_42 : i32
    %add3A_44 = arith.constant -128 : i32
    %add3A_45 = arith.addi %add3A_43, %add3A_44 : i32
    %add3A_46 = arith.constant 0 : i32
    %add3A_47 = arith.addi %add3A_45, %add3A_46 : i32
    %get3A_48 = arith.index_cast %add3A_47 : i32 to index
    %get3A_49 = arith.constant 0 : index
    %get3A_50 = vector.load %arg1[%get3A_48, %get3A_49] : memref<16656x64xf32, #tpu.memory_space<vmem>>, vector<1024x64xf32>
    %get3A_51 = arith.constant 1 : index
    %get3A_52 = arith.constant 0 : index
    %get3A_53 = arith.constant 0 : index
    %get3A_54 = vector.load %arg2[%get3A_51, %get3A_52, %get3A_53] : memref<9x64x64xf32, #tpu.memory_space<vmem>>, vector<1x64x64xf32>
    %get3A_55 = vector.shape_cast %get3A_54 : vector<1x64x64xf32> to vector<64x64xf32>
    %dot_general3A_56 = arith.constant dense<0.000000e+00> : vector<1024x64xf32>
    %dot_general3A_57 = tpu.matmul %get3A_50, %get3A_55, %dot_general3A_56 {dimension_numbers = #tpu.dot_dimension_numbers<[1], [0], [0], [1], [0, 0, 1, 1], [], []>, transpose_lhs_hint = false} : vector<1024x64xf32>, vector<64x64xf32>, vector<1024x64xf32> -> vector<1024x64xf32>
    %add3A_58 = arith.addf %add3A_41, %dot_general3A_57 : vector<1024x64xf32>
    %add3A_59 = arith.constant 136 : i32
    %add3A_60 = arith.addi %mul3A_0, %add3A_59 : i32
    %add3A_61 = arith.constant -128 : i32
    %add3A_62 = arith.addi %add3A_60, %add3A_61 : i32
    %add3A_63 = arith.constant 1 : i32
    %add3A_64 = arith.addi %add3A_62, %add3A_63 : i32
    %get3A_65 = arith.index_cast %add3A_64 : i32 to index
    %get3A_66 = arith.constant 0 : index
    %get3A_67 = vector.load %arg1[%get3A_65, %get3A_66] : memref<16656x64xf32, #tpu.memory_space<vmem>>, vector<1024x64xf32>
    %ne3A_68 = arith.constant 127 : i32
    %ne3A_69 = vector.broadcast %ne3A_68 : i32 to vector<1024x1xi32>
    %ne3A_70 = arith.cmpi ne, %select_n3A_14, %ne3A_69 : vector<1024x1xi32>
    %jit3A_71 = arith.constant 0.000000e+00 : f32
    %broadcast_in_dim3A_72 = vector.shape_cast %ne3A_70 : vector<1024x1xi1> to vector<1024x1xi1>
    %broadcast_in_dim3A_73 = vector.broadcast %broadcast_in_dim3A_72 : vector<1024x1xi1> to vector<1024x64xi1>
    %broadcast_in_dim3A_74 = vector.broadcast %jit3A_71 : f32 to vector<1024x64xf32>
    %select_n3A_75 = arith.select %broadcast_in_dim3A_73, %get3A_67, %broadcast_in_dim3A_74 : vector<1024x64xi1>, vector<1024x64xf32>
    %get3A_76 = arith.constant 2 : index
    %get3A_77 = arith.constant 0 : index
    %get3A_78 = arith.constant 0 : index
    %get3A_79 = vector.load %arg2[%get3A_76, %get3A_77, %get3A_78] : memref<9x64x64xf32, #tpu.memory_space<vmem>>, vector<1x64x64xf32>
    %get3A_80 = vector.shape_cast %get3A_79 : vector<1x64x64xf32> to vector<64x64xf32>
    %dot_general3A_81 = arith.constant dense<0.000000e+00> : vector<1024x64xf32>
    %dot_general3A_82 = tpu.matmul %select_n3A_75, %get3A_80, %dot_general3A_81 {dimension_numbers = #tpu.dot_dimension_numbers<[1], [0], [0], [1], [0, 0, 1, 1], [], []>, transpose_lhs_hint = false} : vector<1024x64xf32>, vector<64x64xf32>, vector<1024x64xf32> -> vector<1024x64xf32>
    %add3A_83 = arith.addf %add3A_58, %dot_general3A_82 : vector<1024x64xf32>
    %add3A_84 = arith.constant 136 : i32
    %add3A_85 = arith.addi %mul3A_0, %add3A_84 : i32
    %add3A_86 = arith.constant 0 : i32
    %add3A_87 = arith.addi %add3A_85, %add3A_86 : i32
    %add3A_88 = arith.constant -1 : i32
    %add3A_89 = arith.addi %add3A_87, %add3A_88 : i32
    %get3A_90 = arith.index_cast %add3A_89 : i32 to index
    %get3A_91 = arith.constant 0 : index
    %get3A_92 = vector.load %arg1[%get3A_90, %get3A_91] : memref<16656x64xf32, #tpu.memory_space<vmem>>, vector<1024x64xf32>
    %ne3A_93 = arith.constant 0 : i32
    %ne3A_94 = vector.broadcast %ne3A_93 : i32 to vector<1024x1xi32>
    %ne3A_95 = arith.cmpi ne, %select_n3A_14, %ne3A_94 : vector<1024x1xi32>
    %jit3A_96 = arith.constant 0.000000e+00 : f32
    %broadcast_in_dim3A_97 = vector.shape_cast %ne3A_95 : vector<1024x1xi1> to vector<1024x1xi1>
    %broadcast_in_dim3A_98 = vector.broadcast %broadcast_in_dim3A_97 : vector<1024x1xi1> to vector<1024x64xi1>
    %broadcast_in_dim3A_99 = vector.broadcast %jit3A_96 : f32 to vector<1024x64xf32>
    %select_n3A_100 = arith.select %broadcast_in_dim3A_98, %get3A_92, %broadcast_in_dim3A_99 : vector<1024x64xi1>, vector<1024x64xf32>
    %get3A_101 = arith.constant 3 : index
    %get3A_102 = arith.constant 0 : index
    %get3A_103 = arith.constant 0 : index
    %get3A_104 = vector.load %arg2[%get3A_101, %get3A_102, %get3A_103] : memref<9x64x64xf32, #tpu.memory_space<vmem>>, vector<1x64x64xf32>
    %get3A_105 = vector.shape_cast %get3A_104 : vector<1x64x64xf32> to vector<64x64xf32>
    %dot_general3A_106 = arith.constant dense<0.000000e+00> : vector<1024x64xf32>
    %dot_general3A_107 = tpu.matmul %select_n3A_100, %get3A_105, %dot_general3A_106 {dimension_numbers = #tpu.dot_dimension_numbers<[1], [0], [0], [1], [0, 0, 1, 1], [], []>, transpose_lhs_hint = false} : vector<1024x64xf32>, vector<64x64xf32>, vector<1024x64xf32> -> vector<1024x64xf32>
    %add3A_108 = arith.addf %add3A_83, %dot_general3A_107 : vector<1024x64xf32>
    %add3A_109 = arith.constant 136 : i32
    %add3A_110 = arith.addi %mul3A_0, %add3A_109 : i32
    %add3A_111 = arith.constant 0 : i32
    %add3A_112 = arith.addi %add3A_110, %add3A_111 : i32
    %add3A_113 = arith.constant 0 : i32
    %add3A_114 = arith.addi %add3A_112, %add3A_113 : i32
    %get3A_115 = arith.index_cast %add3A_114 : i32 to index
    %get3A_116 = arith.constant 0 : index
    %get3A_117 = vector.load %arg1[%get3A_115, %get3A_116] : memref<16656x64xf32, #tpu.memory_space<vmem>>, vector<1024x64xf32>
    %get3A_118 = arith.constant 4 : index
    %get3A_119 = arith.constant 0 : index
    %get3A_120 = arith.constant 0 : index
    %get3A_121 = vector.load %arg2[%get3A_118, %get3A_119, %get3A_120] : memref<9x64x64xf32, #tpu.memory_space<vmem>>, vector<1x64x64xf32>
    %get3A_122 = vector.shape_cast %get3A_121 : vector<1x64x64xf32> to vector<64x64xf32>
    %dot_general3A_123 = arith.constant dense<0.000000e+00> : vector<1024x64xf32>
    %dot_general3A_124 = tpu.matmul %get3A_117, %get3A_122, %dot_general3A_123 {dimension_numbers = #tpu.dot_dimension_numbers<[1], [0], [0], [1], [0, 0, 1, 1], [], []>, transpose_lhs_hint = false} : vector<1024x64xf32>, vector<64x64xf32>, vector<1024x64xf32> -> vector<1024x64xf32>
    %add3A_125 = arith.addf %add3A_108, %dot_general3A_124 : vector<1024x64xf32>
    %add3A_126 = arith.constant 136 : i32
    %add3A_127 = arith.addi %mul3A_0, %add3A_126 : i32
    %add3A_128 = arith.constant 0 : i32
    %add3A_129 = arith.addi %add3A_127, %add3A_128 : i32
    %add3A_130 = arith.constant 1 : i32
    %add3A_131 = arith.addi %add3A_129, %add3A_130 : i32
    %get3A_132 = arith.index_cast %add3A_131 : i32 to index
    %get3A_133 = arith.constant 0 : index
    %get3A_134 = vector.load %arg1[%get3A_132, %get3A_133] : memref<16656x64xf32, #tpu.memory_space<vmem>>, vector<1024x64xf32>
    %ne3A_135 = arith.constant 127 : i32
    %ne3A_136 = vector.broadcast %ne3A_135 : i32 to vector<1024x1xi32>
    %ne3A_137 = arith.cmpi ne, %select_n3A_14, %ne3A_136 : vector<1024x1xi32>
    %jit3A_138 = arith.constant 0.000000e+00 : f32
    %broadcast_in_dim3A_139 = vector.shape_cast %ne3A_137 : vector<1024x1xi1> to vector<1024x1xi1>
    %broadcast_in_dim3A_140 = vector.broadcast %broadcast_in_dim3A_139 : vector<1024x1xi1> to vector<1024x64xi1>
    %broadcast_in_dim3A_141 = vector.broadcast %jit3A_138 : f32 to vector<1024x64xf32>
    %select_n3A_142 = arith.select %broadcast_in_dim3A_140, %get3A_134, %broadcast_in_dim3A_141 : vector<1024x64xi1>, vector<1024x64xf32>
    %get3A_143 = arith.constant 5 : index
    %get3A_144 = arith.constant 0 : index
    %get3A_145 = arith.constant 0 : index
    %get3A_146 = vector.load %arg2[%get3A_143, %get3A_144, %get3A_145] : memref<9x64x64xf32, #tpu.memory_space<vmem>>, vector<1x64x64xf32>
    %get3A_147 = vector.shape_cast %get3A_146 : vector<1x64x64xf32> to vector<64x64xf32>
    %dot_general3A_148 = arith.constant dense<0.000000e+00> : vector<1024x64xf32>
    %dot_general3A_149 = tpu.matmul %select_n3A_142, %get3A_147, %dot_general3A_148 {dimension_numbers = #tpu.dot_dimension_numbers<[1], [0], [0], [1], [0, 0, 1, 1], [], []>, transpose_lhs_hint = false} : vector<1024x64xf32>, vector<64x64xf32>, vector<1024x64xf32> -> vector<1024x64xf32>
    %add3A_150 = arith.addf %add3A_125, %dot_general3A_149 : vector<1024x64xf32>
    %add3A_151 = arith.constant 136 : i32
    %add3A_152 = arith.addi %mul3A_0, %add3A_151 : i32
    %add3A_153 = arith.constant 128 : i32
    %add3A_154 = arith.addi %add3A_152, %add3A_153 : i32
    %add3A_155 = arith.constant -1 : i32
    %add3A_156 = arith.addi %add3A_154, %add3A_155 : i32
    %get3A_157 = arith.index_cast %add3A_156 : i32 to index
    %get3A_158 = arith.constant 0 : index
    %get3A_159 = vector.load %arg1[%get3A_157, %get3A_158] : memref<16656x64xf32, #tpu.memory_space<vmem>>, vector<1024x64xf32>
    %ne3A_160 = arith.constant 0 : i32
    %ne3A_161 = vector.broadcast %ne3A_160 : i32 to vector<1024x1xi32>
    %ne3A_162 = arith.cmpi ne, %select_n3A_14, %ne3A_161 : vector<1024x1xi32>
    %jit3A_163 = arith.constant 0.000000e+00 : f32
    %broadcast_in_dim3A_164 = vector.shape_cast %ne3A_162 : vector<1024x1xi1> to vector<1024x1xi1>
    %broadcast_in_dim3A_165 = vector.broadcast %broadcast_in_dim3A_164 : vector<1024x1xi1> to vector<1024x64xi1>
    %broadcast_in_dim3A_166 = vector.broadcast %jit3A_163 : f32 to vector<1024x64xf32>
    %select_n3A_167 = arith.select %broadcast_in_dim3A_165, %get3A_159, %broadcast_in_dim3A_166 : vector<1024x64xi1>, vector<1024x64xf32>
    %get3A_168 = arith.constant 6 : index
    %get3A_169 = arith.constant 0 : index
    %get3A_170 = arith.constant 0 : index
    %get3A_171 = vector.load %arg2[%get3A_168, %get3A_169, %get3A_170] : memref<9x64x64xf32, #tpu.memory_space<vmem>>, vector<1x64x64xf32>
    %get3A_172 = vector.shape_cast %get3A_171 : vector<1x64x64xf32> to vector<64x64xf32>
    %dot_general3A_173 = arith.constant dense<0.000000e+00> : vector<1024x64xf32>
    %dot_general3A_174 = tpu.matmul %select_n3A_167, %get3A_172, %dot_general3A_173 {dimension_numbers = #tpu.dot_dimension_numbers<[1], [0], [0], [1], [0, 0, 1, 1], [], []>, transpose_lhs_hint = false} : vector<1024x64xf32>, vector<64x64xf32>, vector<1024x64xf32> -> vector<1024x64xf32>
    %add3A_175 = arith.addf %add3A_150, %dot_general3A_174 : vector<1024x64xf32>
    %add3A_176 = arith.constant 136 : i32
    %add3A_177 = arith.addi %mul3A_0, %add3A_176 : i32
    %add3A_178 = arith.constant 128 : i32
    %add3A_179 = arith.addi %add3A_177, %add3A_178 : i32
    %add3A_180 = arith.constant 0 : i32
    %add3A_181 = arith.addi %add3A_179, %add3A_180 : i32
    %get3A_182 = arith.index_cast %add3A_181 : i32 to index
    %get3A_183 = arith.constant 0 : index
    %get3A_184 = vector.load %arg1[%get3A_182, %get3A_183] : memref<16656x64xf32, #tpu.memory_space<vmem>>, vector<1024x64xf32>
    %get3A_185 = arith.constant 7 : index
    %get3A_186 = arith.constant 0 : index
    %get3A_187 = arith.constant 0 : index
    %get3A_188 = vector.load %arg2[%get3A_185, %get3A_186, %get3A_187] : memref<9x64x64xf32, #tpu.memory_space<vmem>>, vector<1x64x64xf32>
    %get3A_189 = vector.shape_cast %get3A_188 : vector<1x64x64xf32> to vector<64x64xf32>
    %dot_general3A_190 = arith.constant dense<0.000000e+00> : vector<1024x64xf32>
    %dot_general3A_191 = tpu.matmul %get3A_184, %get3A_189, %dot_general3A_190 {dimension_numbers = #tpu.dot_dimension_numbers<[1], [0], [0], [1], [0, 0, 1, 1], [], []>, transpose_lhs_hint = false} : vector<1024x64xf32>, vector<64x64xf32>, vector<1024x64xf32> -> vector<1024x64xf32>
    %add3A_192 = arith.addf %add3A_175, %dot_general3A_191 : vector<1024x64xf32>
    %add3A_193 = arith.constant 136 : i32
    %add3A_194 = arith.addi %mul3A_0, %add3A_193 : i32
    %add3A_195 = arith.constant 128 : i32
    %add3A_196 = arith.addi %add3A_194, %add3A_195 : i32
    %add3A_197 = arith.constant 1 : i32
    %add3A_198 = arith.addi %add3A_196, %add3A_197 : i32
    %get3A_199 = arith.index_cast %add3A_198 : i32 to index
    %get3A_200 = arith.constant 0 : index
    %get3A_201 = vector.load %arg1[%get3A_199, %get3A_200] : memref<16656x64xf32, #tpu.memory_space<vmem>>, vector<1024x64xf32>
    %ne3A_202 = arith.constant 127 : i32
    %ne3A_203 = vector.broadcast %ne3A_202 : i32 to vector<1024x1xi32>
    %ne3A_204 = arith.cmpi ne, %select_n3A_14, %ne3A_203 : vector<1024x1xi32>
    %jit3A_205 = arith.constant 0.000000e+00 : f32
    %broadcast_in_dim3A_206 = vector.shape_cast %ne3A_204 : vector<1024x1xi1> to vector<1024x1xi1>
    %broadcast_in_dim3A_207 = vector.broadcast %broadcast_in_dim3A_206 : vector<1024x1xi1> to vector<1024x64xi1>
    %broadcast_in_dim3A_208 = vector.broadcast %jit3A_205 : f32 to vector<1024x64xf32>
    %select_n3A_209 = arith.select %broadcast_in_dim3A_207, %get3A_201, %broadcast_in_dim3A_208 : vector<1024x64xi1>, vector<1024x64xf32>
    %get3A_210 = arith.constant 8 : index
    %get3A_211 = arith.constant 0 : index
    %get3A_212 = arith.constant 0 : index
    %get3A_213 = vector.load %arg2[%get3A_210, %get3A_211, %get3A_212] : memref<9x64x64xf32, #tpu.memory_space<vmem>>, vector<1x64x64xf32>
    %get3A_214 = vector.shape_cast %get3A_213 : vector<1x64x64xf32> to vector<64x64xf32>
    %dot_general3A_215 = arith.constant dense<0.000000e+00> : vector<1024x64xf32>
    %dot_general3A_216 = tpu.matmul %select_n3A_209, %get3A_214, %dot_general3A_215 {dimension_numbers = #tpu.dot_dimension_numbers<[1], [0], [0], [1], [0, 0, 1, 1], [], []>, transpose_lhs_hint = false} : vector<1024x64xf32>, vector<64x64xf32>, vector<1024x64xf32> -> vector<1024x64xf32>
    %add3A_217 = arith.addf %add3A_192, %dot_general3A_216 : vector<1024x64xf32>
    %max3A = arith.constant 0.000000e+00 : f32
    %max3A_218 = vector.broadcast %max3A : f32 to vector<1024x64xf32>
    %max3A_219 = arith.maximumf %add3A_217, %max3A_218 : vector<1024x64xf32>
    %get3A_220 = arith.constant 0 : index
    %get3A_221 = arith.constant 0 : index
    %get3A_222 = vector.load %arg4[%get3A_220, %get3A_221] : memref<64x8xf32, #tpu.memory_space<vmem>>, vector<64x8xf32>
    %dot_general3A_223 = arith.constant dense<0.000000e+00> : vector<1024x8xf32>
    %dot_general3A_224 = tpu.matmul %max3A_219, %get3A_222, %dot_general3A_223 {dimension_numbers = #tpu.dot_dimension_numbers<[1], [0], [0], [1], [0, 0, 1, 1], [], []>, transpose_lhs_hint = false} : vector<1024x64xf32>, vector<64x8xf32>, vector<1024x8xf32> -> vector<1024x8xf32>
    %get3A_225 = arith.constant 0 : index
    %get3A_226 = arith.constant 0 : index
    %get3A_227 = vector.load %arg5[%get3A_225, %get3A_226] : memref<1x8xf32, #tpu.memory_space<vmem>>, vector<1x8xf32>
    %add3A_228 = vector.broadcast %get3A_227 : vector<1x8xf32> to vector<1024x8xf32>
    %add3A_229 = arith.addf %dot_general3A_224, %add3A_228 : vector<1024x8xf32>
    %swap3A = arith.constant 0 : index
    %swap3A_230 = arith.constant 0 : index
    %swap3A_231 = vector.load %arg6[%swap3A, %swap3A_230] : memref<1024x8xf32, #tpu.memory_space<vmem>>, vector<1024x8xf32>
    tpu.vector_store %arg6[%swap3A, %swap3A_230], %add3A_229 {strides = array<i32>} : memref<1024x8xf32, #tpu.memory_space<vmem>>, vector<1024x8xf32>,
    return
  }
  func.func @transform_0(%arg0: i32) -> (i32, i32) {
    %c0_i32 = arith.constant 0 : i32
    %c0_i32_0 = arith.constant 0 : i32
    %c0_i32_1 = arith.constant 0 : i32
    return %c0_i32, %c0_i32_0 : i32, i32
  }
  func.func @transform_1(%arg0: i32) -> (i32, i32, i32) {
    %c0_i32 = arith.constant 0 : i32
    %c0_i32_0 = arith.constant 0 : i32
    %c0_i32_1 = arith.constant 0 : i32
    %c0_i32_2 = arith.constant 0 : i32
    return %c0_i32, %c0_i32_0, %c0_i32_1 : i32, i32, i32
  }
  func.func @transform_2(%arg0: i32) -> (i32, i32) {
    %c0_i32 = arith.constant 0 : i32
    %c0_i32_0 = arith.constant 0 : i32
    %c0_i32_1 = arith.constant 0 : i32
    return %c0_i32, %c0_i32_0 : i32, i32
  }
  func.func @transform_3(%arg0: i32) -> (i32, i32) {
    %c0_i32 = arith.constant 0 : i32
    %c0_i32_0 = arith.constant 0 : i32
    %c0_i32_1 = arith.constant 0 : i32
    return %c0_i32, %c0_i32_0 : i32, i32
  }
  func.func @transform_4(%arg0: i32) -> (i32, i32) {
    %c0_i32 = arith.constant 0 : i32
    %c0_i32_0 = arith.constant 0 : i32
    %c0_i32_1 = arith.constant 0 : i32
    return %c0_i32, %c0_i32_0 : i32, i32
  }
  func.func @transform_5(%arg0: i32) -> (i32, i32) {
    %c0_i32 = arith.constant 0 : i32
    %c0_i32_0 = arith.constant 0 : i32
    return %arg0, %c0_i32 : i32, i32
  }
}

</mosaic_0001>

<sc_bundles>
// kernel: scatter_offload_async_start
scs
__scs_entry_jumppad:
0x0: {  	(pc) =	sbr.rel $0x88, $3  }
0x1: {  	(tag) =	ssettag $0x0;
	lr =	simm.s32 $0x1  }
0x2: {  	[smem:$0x3F8B] =	sst lr;
	_ =	strace $0xD0000000  }
0x3: {  	_ = 	snop  }
0x4: {  	_ = 	snop  }
0x5: {  	_ = 	snop  }
0x6: {  	_ = 	snop  }
0x7: {  	_ = 	snop  }
__scs_overlays_trampoline_lowered:
0x8: {  	[smem:$0x3F9A] =	sst s0  }
0x9: {  	[smem:$0x3F9B] =	sst s1  }
0xa: {  	[smem:$0x3F9C] =	sst s2  }
0xb: {  	[smem:$0x3F9D] =	sst s3  }
0xc: {  	[smem:$0x3F9E] =	sst s4  }
0xd: {  	[smem:$0x3F9F] =	sst s5  }
0xe: {  	[smem:$0x3FA0] =	sst s6  }
0xf: {  	[smem:$0x3FA1] =	sst s7  }
0x10: {  	[smem:$0x3FA2] =	sst s8  }
0x11: {  	[smem:$0x3FA3] =	sst s9;
	s0 =	simm.s32 @!p0 $0x0  }
0x12: {  	s1 =	sld [smem:$0x3F89];
	s0 =	simm.s32 @p0 $0x1  }
0x13: {  	[smem:$0x3FA4] =	sst s0;
	s0 =	simm.s32 @!p1 $0x0  }
0x14: {  	s2 =	sld [smem:$0x3F88];
	s0 =	simm.s32 @p1 $0x1  }
0x15: {  	[smem:$0x3FA5] =	sst s0;
	s0 =	simm.s32 @!p2 $0x0  }
0x16: {  	s3 =	sld [smem:$0x3FDB];
	s0 =	simm.s32 @p2 $0x1  }
0x17: {  	s4 =	simm.s32 $0x1BF5;
	[smem:$0x3FA7] =	sst s0  }
0x18: {  	s0 =	sld [smem:$0x3F8A];
	_ =	swait.ge [sflag:s4], $0x0  }
0x19: {  	s7 =	sld [smem:$0x3F8B]  }
0x1a: {  	s8 =	sadd.s32 $0xFFFFE003, lr  }
0x1b: {  	s9 =	sadd.s32 $0xFFFFFEF7, lr;
	s5 =	simm.s32 $0xFFFFFFFF;
	p2 =	slt.u32 s8, $0xFFFFF086  }
0x1c: {  	p1 =	slt.u32 s9, $0xF7A;
	s5 =	simm.s32 @!p2 $0x0  }
0x1d: {  	s5 =	simm.s32 @p1 $0x1;
	p0 =	seq.s32 s7, s2  }
0x1e: {  	s7 =	smul.u32 @!p0 $0xF7A, s2;
	p2 =	seq.s32 @!p0 s5, $0x0  }
0x1f: {  	s9 =	smul.u32 $0xF7A, s1;
	s8 =	simm.s32 @!p0 $0x1BF5;
	p2 =	por !p2, p0  }
0x20: {  	[sflag:s8] =	ssyncset.s32 @!p0 $0xFFFFF086;
	s6 =	sadd.s32 @!p0 s3, s7;
	s7 =	simm.s32 @!p0 $0x108  }
0x21: {  	s3 =	sadd.s32 s3, s9;
	s6 =	sadd.s32 @!p0 $0x88, s6;
	s7 =	simm.s32 @p2 $0x1082  }
0x22: {  	[simem:s7], [sflag:s8] =	dma.local @!p0 [hbm:s6], $0xF7A  }
0x23: {  	s9 =	sor.u32 $0xD0000000, s2;
	s6 =	simm.s32 $0x108;
	_ =	swait.ge @!p0 [sflag:s8], $0x0  }
0x24: {  	s3 =	sadd.s32 $0x88, s3;
	s6 =	simm.s32 @!p1 $0x1082;
	[sflag:s4] =	ssyncset.s32 $0xFFFFF086  }
0x25: {  	[simem:s6], [sflag:s4] =	dma.local [hbm:s3], $0xF7A  }
0x26: {  	[smem:$0x3F8B] =	sst s1;
	(tag) =	ssettag s2;
	_ =	strace s9  }
0x27: {  	s1 =	sld [smem:$0x3F9B]  }
0x28: {  	s2 =	sld [smem:$0x3F9C]  }
0x29: {  	s4 =	sld [smem:$0x3F9E]  }
0x2a: {  	p0 =	seq.s32 s5, $0x0;
	s5 =	sld [smem:$0x3F9F]  }
0x2b: {  	s6 =	sld [smem:$0x3FA0]  }
0x2c: {  	s7 =	sld [smem:$0x3FA1]  }
0x2d: {  	s3 =	simm.s32 $0x108;
	s8 =	sld [smem:$0x3FA2]  }
0x2e: {  	s3 =	simm.s32 @!p0 $0x1082;
	s9 =	sld [smem:$0x3FA3]  }
0x2f: {  	lr =	sadd.s32 s0, s3;
	s0 =	sld [smem:$0x3F9A]  }
0x30: {  	s3 =	sld [smem:$0x3F9D]  }
0x31: {  	[smem:$0x3FA6] =	sst s10  }
0x32: {  	s10 =	sld [smem:$0x3FA4];
	_ =	sdelay $0x3  }
0x33: {  	p0 =	seq.s32 s10, $0x1;
	s10 =	sld [smem:$0x3FA6];
	_ =	sdelay $0x3  }
0x34: {  	[smem:$0x3FA6] =	sst s10  }
0x35: {  	s10 =	sld [smem:$0x3FA5];
	_ =	sdelay $0x3  }
0x36: {  	p1 =	seq.s32 s10, $0x1;
	s10 =	sld [smem:$0x3FA6];
	_ =	sdelay $0x3  }
0x37: {  	[smem:$0x3FA6] =	sst s10  }
0x38: {  	s10 =	sld [smem:$0x3FA7]  }
0x39: {  	_ = 	snop;
	(pc) =	sbr.ind lr, $3  }
0x3a: {  	_ = 	snop  }
0x3b: {  	_ = 	snop  }
0x3c: {  	p2 =	seq.s32 s10, $0x1;
	s10 =	sld [smem:$0x3FA6]  }
0x3d: {  	_ =	shalt  }
0x3e: {  	_ =	shalt  }
0x3f: {  	_ =	shalt  }
0x40: {  	_ =	shalt  }
0x41: {  	_ =	shalt  }
0x42: {  	_ =	shalt  }
0x43: {  	_ =	shalt  }
0x44: {  	_ =	shalt  }
0x45: {  	_ =	shalt  }
0x46: {  	_ =	shalt  }
0x47: {  	_ =	shalt  }
0x48: {  	_ =	shalt  }
0x49: {  	_ =	shalt  }
0x4a: {  	_ =	shalt  }
0x4b: {  	_ =	shalt  }
0x4c: {  	_ =	shalt  }
0x4d: {  	_ =	shalt  }
0x4e: {  	_ =	shalt  }
0x4f: {  	_ =	shalt  }
0x50: {  	_ =	shalt  }
0x51: {  	_ =	shalt  }
0x52: {  	_ =	shalt  }
0x53: {  	_ =	shalt  }
0x54: {  	_ =	shalt  }
0x55: {  	_ =	shalt  }
0x56: {  	_ =	shalt  }
0x57: {  	_ =	shalt  }
0x58: {  	_ =	shalt  }
0x59: {  	_ =	shalt  }
0x5a: {  	_ =	shalt  }
0x5b: {  	_ =	shalt  }
0x5c: {  	_ =	shalt  }
0x5d: {  	_ =	shalt  }
0x5e: {  	_ =	shalt  }
0x5f: {  	_ =	shalt  }
0x60: {  	_ =	shalt  }
0x61: {  	_ =	shalt  }
0x62: {  	_ =	shalt  }
0x63: {  	_ =	shalt  }
0x64: {  	_ =	shalt  }
0x65: {  	_ =	shalt  }
0x66: {  	_ =	shalt  }
0x67: {  	_ =	shalt  }
0x68: {  	_ =	shalt  }
0x69: {  	_ =	shalt  }
0x6a: {  	_ =	shalt  }
0x6b: {  	_ =	shalt  }
0x6c: {  	_ =	shalt  }
0x6d: {  	_ =	shalt  }
0x6e: {  	_ =	shalt  }
0x6f: {  	_ =	shalt  }
0x70: {  	_ =	shalt  }
0x71: {  	_ =	shalt  }
0x72: {  	_ =	shalt  }
0x73: {  	_ =	shalt  }
0x74: {  	_ =	shalt  }
0x75: {  	_ =	shalt  }
0x76: {  	_ =	shalt  }
0x77: {  	_ =	shalt  }
0x78: {  	_ =	shalt  }
0x79: {  	_ =	shalt  }
0x7a: {  	_ =	shalt  }
0x7b: {  	_ =	shalt  }
0x7c: {  	_ =	shalt  }
0x7d: {  	_ =	shalt  }
0x7e: {  	_ =	shalt  }
0x7f: {  	_ =	shalt  }
0x80: {  	_ =	shalt  }
0x81: {  	_ =	shalt  }
0x82: {  	_ =	shalt  }
0x83: {  	_ =	shalt  }
0x84: {  	_ =	shalt  }
0x85: {  	_ =	shalt  }
0x86: {  	_ =	shalt  }
0x87: {  	_ =	shalt  }
.Lfunc_end0:
.L_simem_size_0:
called_computation_lowered:
.L_overlay_start_0:
0x88: {  	s2 =	sld [smem:$0x3FD9]  }
0x89: {  	s3 =	sld [smem:$0x3FFE];
	_ =	sdelay $0x1  }
0x8a: {  	s1 =	srdreg.scid  }
0x8b: {  	s0 =	sand.u32 $0x1, s1  }
0x8c: {  	s13 =	sshll.u32 s0, $0xA;
	s2 =	sadd.s32 s3, s2  }
0x8d: {  	s2 =	sadd.s32 s2, s13  }
0x8e: {  	[smem:$0x3FB2] =	sst s2  }
0x8f: {  	_ = 	snop  }
0x90: {  	s2 =	sld [smem:$0x3FD0];
	_ =	sdelay $0x2  }
0x91: {  	s14 =	simm.s32 $0xA;
	s4 =	simm.s32 $0x10  }
0x92: {  	[smem:s4], [sflag:s14] =	dma.local [hbm:s2], $0x1  }
0x93: {  	_ =	swait.eq [sflag:s14], $0x1  }
0x94: {  	[sflag:s14] =	ssyncset.done $0x0  }
0x95: {  	[sflag:s14] =	ssyncadd.s32 $0xFFFFFFFF  }
0x96: {  	s15 =	sld [smem:$0x11];
	(tm) =	ssettm $0x1  }
0x97: {  	s16 =	sld [smem:$0x3FFB];
	_ =	sdelay $0x3  }
0x98: {  	_ =	strace s16  }
0x99: {  	s3 =	sld [smem:$0x3FFC];
	_ =	sdelay $0x3  }
0x9a: {  	_ =	strace s3  }
0x9b: {  	s3 =	sld [smem:$0x3FFD];
	_ =	sdelay $0x3  }
0x9c: {  	_ =	strace s3  }
0x9d: {  	_ =	strace $0x8FFFFFFF  }
0x9e: {  	s17 =	sld [smem:$0x3FDB];
	_ =	sdelay $0x1  }
0x9f: {  	s18 =	simm.s32 $_scs_section_size  }
0xa0: {  	s5 =	simm.s32 $_size__tile_overlayer_lowered;
	s6 =	simm.s32 $_tile_overlayer_lowered  }
0xa1: {  	s21 =	simm.s32 $0x1BFF;
	s20 =	sshll.u32 s6, $0x1;
	s3 =	sadd.s32 s18, s17  }
0xa2: {  	s7 =	simm.s32 $0x0;
	s19 =	sshll.u32 s5, $0x1;
	s5 =	sadd.s32 s20, s3  }
0xa3: {  	[timem:s7], [sflag:s21] =	dma.local [hbm:s5], s19  }
0xa4: {  	_ =	swait.ge [sflag:s21], s19  }
0xa5: {  	s4 =	ssub.s32 $0x0, s19;
	[sflag:s21] =	ssyncset.done $0x0  }
0xa6: {  	[sflag:s21] =	ssyncadd.s32 s4;
	_ =	sdelay $0x1  }
0xa7: {  	s22 =	simm.s32 $0x1B8B  }
0xa8: {  	_ =	swait.ge [sflag:s22], $0x1  }
0xa9: {  	[sflag:s22] =	ssyncset.done $0x0  }
0xaa: {  	s23 =	sld [smem:$0x3FFE];
	[sflag:s22] =	ssyncadd.s32 $0xFFFFFFFF  }
0xab: {  	s25 =	simm.s32 $0x1B8E;
	s24 =	sld [smem:$0x0]  }
0xac: {  	s26 =	simm.s32 $execute0_lowered;
	[smem:$0x3FD2] =	sst s25  }
0xad: {  	s6 =	sshll.u32 s26, $0x1;
	_ =	strace $0x80000046;
	[dreg:$0x1] =	wrdreg $0xFFFFFFFF  }
0xae: {  	s28 =	simm.s32 $_size_execute0_lowered;
	s3 =	sadd.s32 s3, s6;
	[dreg:$0x0] =	wrdreg $0x0  }
0xaf: {  	s6 =	sshll.u32 s28, $0x1;
	[dreg:$0x2] =	wrdreg s3  }
0xb0: {  	[dreg:$0x3] =	wrdreg s6  }
0xb1: {  	[dreg:$0x4] =	wrdreg $0xC0  }
0xb2: {  	_ =	task [dreg:s7], $0x5FFFF  }
0xb3: {  	[dreg:$0x1] =	wrdreg $0xFFFFFFFF  }
0xb4: {  	[dreg:$0x0] =	wrdreg $0x60  }
0xb5: {  	[dreg:$0x2] =	wrdreg s23  }
0xb6: {  	[dreg:$0x3] =	wrdreg s15  }
0xb7: {  	[dreg:$0x4] =	wrdreg s1  }
0xb8: {  	[dreg:$0x5] =	wrdreg s24  }
0xb9: {  	[dreg:$0x6] =	wrdreg $0x9  }
0xba: {  	_ =	task.clear_ibuf [dreg:s7], $0x7FFFF;
	_ =	strace $0x90000046  }
0xbb: {  	s29 =	simm.s32 $0x9;
	_ =	strace $0x80000048  }
0xbc: {  	_ =	swait.ge [sflag:s29], $0x1  }
0xbd: {  	[sflag:s29] =	ssyncadd.s32 $0xFFFFFFFF  }
0xbe: {  	_ =	strace $0x90000048  }
0xbf: {  	_ =	sfence  }
0xc0: {  	s30 =	sld [smem:$0x0];
	_ =	sdelay $0x2  }
0xc1: {  	s31 =	sshll.u32 s1, $0xD;
	s1 =	sshrl.u32 s1, $0x2  }
0xc2: {  	s3 =	sand.u32 $0x4000, s31;
	s1 =	sadd.s32 s1, s30  }
0xc3: {  	s0 =	sor.u32 s3, s0;
	s1 =	sshll.u32 s1, $0x11  }
0xc4: {  	s0 =	sor.u32 s1, s0  }
0xc5: {  	s0 =	sadd.s32 $0x8F2B, s0  }
0xc6: {  	[sflag:s0] =	ssyncadd.remote.s32 $0x1  }
0xc7: {  	_ =	sfence.sel $0xFFFF  }
0xc8: {  	[dreg:$0x0] =	wrdreg $0xFFFFFFFF;
	(pc) =	sbr.abs _section_cstart, $3  }
0xc9: {  	[dreg:$0x1] =	wrdreg $0xFFFFFFFF  }
0xca: {  	_ =	task.clear_ibuf [dreg:s7], $0x2FFFF;
	_ =	strace $0x9FFFFFFF  }
0xcb: {  	(tm) =	ssettm $0x7FFFFFFF  }
tec
execute0_lowered:
.L_overlay_start_1:
0x0: {  	(tag) =	ssettag $0x1  }
0x1: {  	s2 =	rddreg [dreg:$0x0]  }
0x2: {  	s0 =	rddreg [dreg:$0x1]  }
0x3: {  	s3 =	rddreg [dreg:$0x2];
	_ =	strace $0x80000047;
	s1 =	simm.s32 $0x1  }
0x4: {  	s4 =	simm.s32 $0x88;
	v0 =	vimm.s32 $0x0;
	[sflag:s1] =	ssyncpa.u1 $0x0  }
0x5: {  	[tilespmem:s4+$0x30] =	vst v0  }
0x6: {  	s1 =	sadd.s32 $0x10C00, s2;
	s6 =	sadd.s32 $0x640C00, s2;
	[tilespmem:s4+$0x20] =	vst v0  }
0x7: {  	s14 =	sadd.s32 $0x4600, s2;
	s9 =	sand.u32 $0x1, s3;
	s2 =	simm.s32 $0x40;
	[tilespmem:s4+$0x10] =	vst v0  }
.LBB2_1:
0x8: {  	s2 =	sadd.s32 $0x40, s2  }
0x9: {  	[tilespmem:s4+$0x0] =	vst v0;
	s4 =	sadd.s32 $0x40, s4;
	p0 =	slt.u32 s2, $0x5040  }
.Ltmp0:
0xa: {  	(pc) =	sbr.rel @p0 .LBB2_1-.Ltmp0, $4  }
0xb: {  	_ = 	snop  }
0xc: {  	[tilespmem:s4+$0x30] =	vst v0  }
0xd: {  	[tilespmem:s4+$0x20] =	vst v0  }
0xe: {  	[tilespmem:s4+$0x10] =	vst v0  }
0xf: {  	s10 =	stileid.u32  }
0x10: {  	s2 =	smul.u32 $0x27, s10  }
0x11: {  	s3 =	smin.u32 s10, $0xA  }
0x12: {  	s2 =	sadd.s32 s3, s2  }
0x13: {  	p0 =	slt.u32 s10, $0xA;
	s7 =	smul.u32 $0x140, s2;
	s2 =	simm.s32 $0x3200  }
0x14: {  	s2 =	simm.s32 @!p0 $0x30C0  }
0x15: {  	s2 =	sadd.s32 s2, s7  }
0x16: {  	s8 =	smin.u32 s2, $0x31800  }
0x17: {  	s2 =	ssub.s32 s8, s7  }
0x18: {  	s26 =	simm.s32 $0x2;
	s29 =	simm.s32 $0x9;
	p0 =	sgt.s32 s2, $0x0  }
0x19: {  	s30 =	simm.s32 $0xA;
	s31 =	smul.u32 $0x6300, s9;
	s2 =	simm.s32 @!p0 $0x0  }
0x1a: {  	s11 =	simm.s32 $0xB;
	[dreg:$0x5] =	wrdreg s9;
	s28 =	smulhi.u32 $0x66666667, s2  }
0x1b: {  	s12 =	simm.s32 $0x1;
	s18 =	simm.s32 $0x0;
	p1 =	por $0x0, $0x0  }
0x1c: {  	s19 =	simm.s32 $0xC;
	s23 =	simm.s32 $0x0;
	s3 =	sshrl.u32 s28, $0x7  }
0x1d: {  	s20 =	simm.s32 $0x0;
	s22 =	simm.s32 $0x0;
	s5 =	smul.u32 $0x140, s3  }
.Ltmp1:
0x1e: {  	[tilespmem:s4+$0x0] =	vst v0;
	v0 =	vimm.s32 $0xFFFFFFFF;
	[sflag:s26] =	ssyncpa.u1 $0x0;
	s16 =	sshll.u32 s10, $0x7;
	(pc) =	sbr.rel .LBB2_3-.Ltmp1, $4  }
0x1f: {  	[tilespmem:$0xA108] =	vst v0;
	[sflag:s29] =	ssyncpa.u1 $0x0;
	p0 =	sne.s32 s2, s5;
	s2 =	simm.s32 $0x1  }
0x20: {  	s14 =	sadd.s32 s31, s14;
	[sflag:s30] =	ssyncpa.u1 $0x0;
	s2 =	simm.s32 @!p0 $0x0  }
0x21: {  	s15 =	sadd.s32 s31, s0;
	[sflag:s11] =	ssyncpa.u1 $0x0;
	s13 =	sadd.s32 s2, s3  }
0x22: {  	v0 =	vlaneseq.u32;
	s21 =	smov.u32 s7;
	p0 =	por $0x1, $0x1;
	s17 =	sadd.s32 $0x1, s13  }
.LBB2_24:
0x23: {  	s0 =	sshrl.u32 s0, $0x2  }
.LBB2_26:
0x24: {  	_ =	swait.ge [sflag:s19], s0  }
0x25: {  	s30 =	ssub.s32 $0x0, s0;
	v1 =	vmov s25;
	vm0 =	veq.s32 v0, $0x0;
	[sflag:s19] =	ssyncset.done $0x0  }
0x26: {  	vm15 =	veq.s32 v0, $0x2;
	v1 =	vsel vm0, s31, v1;
	[sflag:s19] =	ssyncadd.s32 s30  }
0x27: {  	v1 =	vsel vm15, s23, v1;
	[sflag:s19] =	ssyncpa.u1 $0x1  }
0x28: {  	[tilespmem:$0xA108] =	vst v1  }
.LBB2_27:
0x29: {  	s0 =	sadd.s32 $0x140, s21  }
0x2a: {  	s2 =	smov.u32 s7;
	p2 =	slt.s32 s0, s8  }
0x2b: {  	s2 =	smov.u32 @p2 s0;
	p2 =	sne.s32 s22, s17  }
.Ltmp2:
0x2c: {  	_ = 	snop;
	(pc) =	sbr.rel @!p2 .LBB2_28-.Ltmp2, $4  }
0x2d: {  	_ = 	snop  }
0x2e: {  	s23 =	smov.u32 s20  }
0x2f: {  	s31 =	sadd.s32 $0x1, s22;
	s20 =	smov.u32 s21;
	p0 =	por !p0, !p0  }
0x30: {  	p1 =	por !p1, !p1;
	s22 =	smov.u32 s31;
	s21 =	smov.u32 s2  }
.LBB2_3:
0x31: {  	p2 =	sge.u32 s22, s13  }
0x32: {  	s0 =	smulhi.u32 @!p2 $0xAAAAAAAB, s22  }
0x33: {  	s2 =	smov.u32 s21;
	p3 =	sgt.s32 @!p2 s21, $0x316C0  }
0x34: {  	s3 =	sshra.s32 @!p2 s21, $0x1F;
	p3 =	por !p3, p2;
	s0 =	sshrl.u32 @!p2 s0, $0x1  }
0x35: {  	s3 =	sand.u32 @!p2 s3, s21;
	s2 =	simm.s32 @p3 $0x316C0;
	s0 =	smul.u32 @!p2 $0x3, s0  }
0x36: {  	s2 =	ssub.s32 @!p2 s2, s3  }
0x37: {  	s2 =	sadd.s32 @!p2 $0xFFFCE940, s2;
	s0 =	ssub.s32 @!p2 s22, s0  }
0x38: {  	s3 =	sshll.u32 @!p2 s2, $0x2;
	p3 =	sgt.s32 @!p2 s2, $0x13F;
	s0 =	smul.u32 @!p2 $0x500, s0  }
0x39: {  	s4 =	sand.u32 @!p2 $0x7, s21;
	s2 =	ssub.s32 @!p2 $0x500, s3;
	p3 =	por !p3, p2  }
0x3a: {  	s3 =	sshrl.u32 @!p2 s21, $0x3;
	s2 =	sshrl.u32 @!p2 s2, $0x2;
	s0 =	sshrl.u32 @!p2 s0, $0x2  }
0x3b: {  	s3 =	sadd.s32 @!p2 s3, s14;
	s2 =	simm.s32 @!p3 $0x0;
	s0 =	sadd.s32 @!p2 $0xA948, s0  }
0x3c: {  	[tilespmem:s0], [sflag:$0xA] =	stream.linear.gather @!p2 [hbm4b:s3+s4], s2, $0x38;
	[tilespmem:$0x1EF88] =	vst v63  }
0x3d: {  	s4 =	sadd.s32 $0xFFFFFFFF, s22  }
0x3e: {  	p2 =	sge.u32 s4, s13  }
0x3f: {  	p3 =	sgt.s32 @!p2 s20, $0x316C0  }
0x40: {  	s0 =	smov.u32 s20;
	s2 =	sshra.s32 @!p2 s20, $0x1F;
	p3 =	por !p3, p2  }
0x41: {  	s2 =	sand.u32 @!p2 s2, s20;
	s0 =	simm.s32 @p3 $0x316C0  }
0x42: {  	s0 =	ssub.s32 @!p2 s0, s2  }
0x43: {  	s0 =	sadd.s32 @!p2 $0xFFFCE940, s0  }
0x44: {  	s2 =	sshll.u32 @!p2 s0, $0x2  }
0x45: {  	p3 =	sgt.s32 @!p2 s0, $0x13F;
	s0 =	ssub.s32 @!p2 $0x500, s2  }
0x46: {  	p3 =	por !p3, p2;
	s0 =	sshrl.u32 @!p2 s0, $0x2  }
0x47: {  	s3 =	simm.s32 @!p2 $0xA;
	s2 =	sand.u32 @!p2 $0x1, s4;
	s0 =	simm.s32 @!p3 $0x0  }
0x48: {  	s2 =	smul.u32 @!p2 $0x500, s2;
	_ =	swait.ge @!p2 [sflag:s3], s0  }
0x49: {  	s5 =	ssub.s32 @!p2 $0x0, s0;
	[sflag:s3] =	ssyncset.done @!p2 $0x0  }
0x4a: {  	s2 =	sshrl.u32 @!p2 s2, $0x2;
	[sflag:s3] =	ssyncadd.s32 @!p2 s5;
	s3 =	sshrl.u32 @!p2 s20, $0x3  }
0x4b: {  	s2 =	sadd.s32 @!p2 $0xAD08, s2;
	s5 =	sand.u32 @!p2 $0x7, s20;
	s3 =	sadd.s32 @!p2 s3, s15  }
0x4c: {  	[tilespmem:s2], [sflag:$0xB] =	stream.linear.gather @!p2 [hbm4b:s3+s5], s0, $0x38;
	[tilespmem:$0x1EF88] =	vst v63  }
0x4d: {  	s0 =	ssub.s32 @!p2 $0x31800, s20  }
0x4e: {  	p3 =	slt.s32 @!p2 s0, $0x1  }
0x4f: {  	p3 =	por p2, p3  }
.Ltmp3:
0x50: {  	_ = 	snop;
	(pc) =	sbr.rel @p3 .LBB2_9-.Ltmp3, $1  }
0x51: {  	_ =	sdelay $0x3  }
0x52: {  	s2 =	smulhi.u32 $0xAAAAAAAB, s4;
	_ =	sdelay $0x1  }
0x53: {  	s2 =	sshrl.u32 s2, $0x1  }
0x54: {  	s2 =	smul.u32 $0x3, s2;
	_ =	sdelay $0x1  }
0x55: {  	s2 =	ssub.s32 s4, s2  }
0x56: {  	s3 =	simm.s32 $0x1;
	s2 =	smul.u32 $0x500, s2  }
.Ltmp4:
0x57: {  	s3 =	simm.s32 @!p0 $0x0;
	(pc) =	sbr.rel .LBB2_6-.Ltmp4, $4  }
0x58: {  	s3 =	smul.u32 $0x28000, s3  }
0x59: {  	p3 =	slt.s32 @!p2 s0, $0x140;
	s2 =	sshrl.u32 s2, $0x2  }
0x5a: {  	p2 =	por !p3, p2;
	s3 =	sshrl.u32 s3, $0x2;
	s2 =	sadd.s32 $0xA948, s2  }
0x5b: {  	s24 =	simm.s32 $0x0;
	s0 =	simm.s32 @p2 $0x140;
	s4 =	sadd.s32 $0xAF88, s3;
	v1 =	vmov s2  }
.LBB2_5:
0x5c: {  	p2 =	sge.s32 s24, s0  }
.Ltmp5:
0x5d: {  	_ = 	snop;
	(pc) =	sbr.rel @p2 .LBB2_9-.Ltmp5, $2  }
0x5e: {  	_ =	sdelay $0x2  }
0x5f: {  	s4 =	sadd.s32 $0x800, s4  }
.LBB2_6:
0x60: {  	p2 =	sle.s32 s0, s24  }
.Ltmp6:
0x61: {  	_ = 	snop;
	(pc) =	sbr.rel @p2 .LBB2_5-.Ltmp6, $2  }
0x62: {  	_ =	sdelay $0x2  }
0x63: {  	s5 =	smov.u32 s24;
	s24 =	sadd.s32 $0x10, s24  }
0x64: {  	s2 =	ssub.s32 s0, s5  }
0x65: {  	p2 =	slt.s32 s2, $0x10  }
0x66: {  	s2 =	simm.s32 @!p2 $0x10  }
0x67: {  	v2 =	vmov s2  }
0x68: {  	vm0 =	vgt.s32 v2, v0;
	_ =	sdelay $0x5  }
0x69: {  	v2 =	vld.idx.msk [tilespmem:v1+s5+$0x0 ss:$0x1], vm0;
	_ =	sdelay $0x2  }
0x6a: {  	p2 =	slt.s32 s24, s0;
	s2 =	smov.u32 s0  }
0x6b: {  	s3 =	smov.u32 s4;
	s25 =	simm.s32 $0x0;
	s2 =	smov.u32 @p2 s24  }
.LBB2_8:
0x6c: {  	(v2sf) =	vpush v2, s25;
	_ =	sdelay $0xc  }
0x6d: {  	s25 =	sadd.s32 $0x1, s25  }
0x6e: {  	s31 =	sadd.s32 s25, s5  }
0x6f: {  	p2 =	slt.s32 s31, s2;
	s9 =	spop (v2sf)  }
.Ltmp7:
0x70: {  	s9 =	sshll.u32 s9, $0x4;
	(pc) =	sbr.rel @p2 .LBB2_8-.Ltmp7, $4  }
0x71: {  	s9 =	sand.u32 $0x1FFFFFF0, s9  }
0x72: {  	s9 =	sadd.s32 s6, s9  }
0x73: {  	[tilespmem:s3], [sflag:$0x9] =	stream.linear.gather [hbm4b:s9+s18], $0x40, $0x38;
	[tilespmem:$0x1EF88] =	vst v63  }
0x74: {  	s3 =	sadd.s32 $0x80, s3  }
.Ltmp8:
0x75: {  	_ = 	snop;
	(pc) =	sbr.rel .LBB2_5-.Ltmp8, $1  }
0x76: {  	_ =	sdelay $0x3  }
.LBB2_9:
0x77: {  	p2 =	slt.u32 s22, $0x2  }
.Ltmp9:
0x78: {  	_ = 	snop;
	(pc) =	sbr.rel @p2 .LBB2_27-.Ltmp9, $1  }
0x79: {  	_ =	sdelay $0x3  }
0x7a: {  	p2 =	sgt.s32 s23, $0x316C0  }
0x7b: {  	s0 =	smov.u32 s23;
	s2 =	sshra.s32 s23, $0x1F;
	s3 =	ssub.s32 $0x31800, s23  }
0x7c: {  	s0 =	simm.s32 @!p2 $0x316C0;
	s2 =	sand.u32 s2, s23;
	p2 =	slt.s32 s3, $0x140  }
0x7d: {  	s0 =	ssub.s32 s0, s2;
	s3 =	simm.s32 @!p2 $0x140  }
0x7e: {  	s0 =	sadd.s32 $0xFFFCE940, s0;
	s10 =	sshll.u32 s3, $0x6  }
0x7f: {  	s26 =	simm.s32 $0x9;
	s24 =	sshll.u32 s0, $0x2;
	s2 =	sand.u32 $0x3FFFFFC0, s10  }
0x80: {  	p2 =	sgt.s32 s0, $0x13F;
	s25 =	ssub.s32 $0x500, s24;
	_ =	swait.ge [sflag:s26], s2  }
0x81: {  	s2 =	ssub.s32 $0x0, s2;
	[sflag:s26] =	ssyncset.done $0x0;
	s0 =	sshrl.u32 s25, $0x2  }
0x82: {  	[sflag:s26] =	ssyncadd.s32 s2;
	s0 =	simm.s32 @p2 $0x0  }
0x83: {  	_ =	swait.ge [sflag:s11], s0  }
0x84: {  	s0 =	ssub.s32 $0x0, s0;
	[sflag:s11] =	ssyncset.done $0x0  }
0x85: {  	[sflag:s11] =	ssyncadd.s32 s0  }
0x86: {  	v1 =	vld [tilespmem:$0xA108];
	_ =	sdelay $0x4  }
0x87: {  	(v2sf) =	vpush v1, $0x0  }
0x88: {  	(v2sf) =	vpush v1, $0x1  }
0x89: {  	(v2sf) =	vpush v1, $0x2;
	_ =	sdelay $0x3  }
0x8a: {  	s0 =	sadd.s32 $0x140, s23  }
0x8b: {  	s2 =	ssub.s32 $0x63000, s23;
	p2 =	slt.s32 s8, s0  }
0x8c: {  	s0 =	smov.u32 @p2 s8;
	p2 =	sgt.s32 s2, $0x0  }
0x8d: {  	s0 =	ssub.s32 s0, s23;
	s2 =	simm.s32 @!p2 $0x0  }
0x8e: {  	p2 =	slt.s32 s2, s0  }
0x8f: {  	s0 =	smov.u32 @p2 s2  }
0x90: {  	s26 =	simm.s32 $0x1;
	p2 =	slt.s32 s0, $0x1  }
.Ltmp10:
0x91: {  	s26 =	simm.s32 @!p1 $0x0;
	(pc) =	sbr.rel @p2 .LBB2_14-.Ltmp10, $4  }
0x92: {  	s30 =	smul.u32 $0x500, s26  }
0x93: {  	s28 =	spop (v2sf)  }
0x94: {  	s31 =	sshrl.u32 s30, $0x2;
	s29 =	spop (v2sf)  }
0x95: {  	s24 =	sadd.s32 $0xAD08, s31;
	s23 =	spop (v2sf)  }
0x96: {  	s2 =	smin.u32 s0, $0x10  }
0x97: {  	v1 =	vmov s2  }
0x98: {  	p3 =	sgt.s32 s0, $0x10;
	vm1 =	vgt.u32 v1, v0  }
.Ltmp11:
0x99: {  	_ = 	snop;
	(pc) =	sbr.rel @!p3 .LBB2_13-.Ltmp11, $2  }
0x9a: {  	_ =	sdelay $0x2  }
0x9b: {  	s5 =	simm.s32 $0x10;
	s25 =	sadd.s32 $0xFFFFFFF0, s0;
	s4 =	smov.u32 s24;
	vm0 =	vmmov vm1  }
.LBB2_12:
0x9c: {  	s2 =	smin.u32 s25, $0x10;
	s5 =	sadd.s32 $0x10, s5;
	v1 =	vld.msk [tilespmem:s4+$0x0 ss:$0x1], vm1  }
0x9d: {  	v2 =	vmov s2;
	p3 =	slt.s32 s5, s0  }
0x9e: {  	vm1 =	vgt.u32 v2, v0  }
.Ltmp12:
0x9f: {  	(pc) =	sbr.rel @p3 .LBB2_12-.Ltmp12, $3  }
0xa0: {  	_ =	sdelay $0x1  }
0xa1: {  	v1 =	vshll.u32 v1, $0x4  }
0xa2: {  	s25 =	sadd.s32 $0xFFFFFFF0, s25;
	[tilespmem:s4+$0x0] =	vst.msk vm0, v1;
	s4 =	sadd.s32 $0x10, s4;
	vm0 =	vmmov vm1  }
.LBB2_13:
0xa3: {  	_ =	sdelay $0x4  }
0xa4: {  	v1 =	vld.msk [tilespmem:s4+$0x0 ss:$0x1], vm1;
	_ =	sdelay $0x4  }
0xa5: {  	v1 =	vshll.u32 v1, $0x4  }
0xa6: {  	[tilespmem:s4+$0x0] =	vst.msk vm0, v1  }
.LBB2_14:
0xa7: {  	s2 =	sand.u32 $0x1, s22  }
0xa8: {  	s2 =	smul.u32 $0x140, s2  }
0xa9: {  	p3 =	sne.s32 s29, $0xFFFFFFFF  }
0xaa: {  	v1 =	vld.msk @!p3 [tilespmem:s2+$0xAD08], $0x1;
	_ =	sdelay $0x4  }
0xab: {  	(v2sf) =	vpush @!p3 v1, $0x0;
	_ =	sdelay $0xc  }
.Ltmp13:
0xac: {  	_ = 	snop;
	(pc) =	sbr.rel @p2 .LBB2_25-.Ltmp13, $4  }
0xad: {  	_ = 	snop  }
0xae: {  	s30 =	spop @!p3 (v2sf)  }
0xaf: {  	s23 =	simm.s32 @!p3 $0x0;
	s25 =	smov.u32 s30  }
0xb0: {  	[sflag:s19] =	ssyncpa.u1 $0x0;
	s30 =	smov.u32 @p3 s28;
	s25 =	smov.u32 @p3 s29  }
0xb1: {  	v1 =	vld.msk [tilespmem:s24+$0x0], $0x1;
	_ =	sdelay $0x4  }
0xb2: {  	(v2sf) =	vpush v1, $0x0;
	_ =	sdelay $0xe  }
0xb3: {  	s2 =	smul.u32 $0x28000, s26;
	s4 =	spop (v2sf)  }
0xb4: {  	s28 =	ssub.s32 $0x0, s0;
	p2 =	seq.s32 s30, s4  }
0xb5: {  	s0 =	sadd.s32 $0x1, s28;
	s2 =	sshrl.u32 s2, $0x2;
	p3 =	sgt.s32 @!p2 s30, $0x0  }
0xb6: {  	s26 =	sadd.s32 $0xAFA8, s2;
	s2 =	smov.u32 s30;
	p3 =	por !p3, p2  }
0xb7: {  	s2 =	simm.s32 @p3 $0x0;
	p3 =	seq.s32 s0, $0x0  }
.Ltmp14:
0xb8: {  	_ = 	snop;
	(pc) =	sbr.rel @p3 .LBB2_17-.Ltmp14, $4  }
0xb9: {  	_ = 	snop  }
0xba: {  	s29 =	simm.s32 $0x0;
	s5 =	simm.s32 @!p2 $0x1;
	s3 =	smin.u32 @!p2 s2, $0x40078  }
0xbb: {  	s31 =	sadd.s32 $0x1, s24;
	s5 =	smov.u32 @p2 s29;
	s9 =	sand.u32 @!p2 $0x7FFF8, s3  }
0xbc: {  	s2 =	simm.s32 @!p2 $0x50C8;
	s3 =	sand.u32 @!p2 $0x7, s3;
	s9 =	sadd.s32 @!p2 s1, s9  }
.LBB2_16:
0xbd: {  	s10 =	smov.u32 s5  }
0xbe: {  	[tilespmem:s2], [sflag:$0x2] =	stream.linear.gather @!p2 [hbm4b:s9+s3], $0x40, $0x38;
	[tilespmem:$0x1EF88] =	vst v63  }
0xbf: {  	s0 =	sadd.s32 $0x1, s0;
	s3 =	smov.u32 s4;
	v1 =	vld.msk [tilespmem:s31+$0x0], $0x1  }
0xc0: {  	p3 =	seq.s32 s0, $0x0;
	_ =	sdelay $0x3  }
0xc1: {  	(v2sf) =	vpush v1, $0x0;
	_ =	sdelay $0xe  }
0xc2: {  	s4 =	spop (v2sf)  }
0xc3: {  	p2 =	seq.s32 s3, s4  }
0xc4: {  	p4 =	sgt.s32 @!p2 s3, $0x0;
	s2 =	sshll.u32 @!p2 s5, $0x8;
	s5 =	sadd.s32 @!p2 $0x1, s5  }
.Ltmp15:
0xc5: {  	p4 =	por !p4, p2;
	s2 =	sshra.s32 @!p2 s2, $0x2;
	(pc) =	sbr.rel @!p3 .LBB2_16-.Ltmp15, $4  }
0xc6: {  	s5 =	smov.u32 @p2 s10;
	s3 =	simm.s32 @p4 $0x0;
	s2 =	sadd.s32 @!p2 $0x50C8, s2  }
0xc7: {  	s3 =	smin.u32 @!p2 s3, $0x40078  }
0xc8: {  	s9 =	sand.u32 @!p2 $0x7FFF8, s3;
	s3 =	sand.u32 @!p2 $0x7, s3  }
0xc9: {  	s31 =	sadd.s32 $0x1, s31;
	s9 =	sadd.s32 @!p2 s1, s9  }
.LBB2_17:
0xca: {  	[tilespmem:s2], [sflag:$0x2] =	stream.linear.gather @!p2 [hbm4b:s9+s3], $0x40, $0x38;
	[tilespmem:$0x1EF88] =	vst v63  }
.Ltmp16:
0xcb: {  	s0 =	sshll.u32 s5, $0x6;
	(pc) =	sbr.rel .LBB2_18-.Ltmp16, $4  }
0xcc: {  	s31 =	simm.s32 $0x2;
	s0 =	sand.u32 $0x3FFFFFC0, s0  }
0xcd: {  	_ =	swait.ge [sflag:s31], s0  }
0xce: {  	s0 =	ssub.s32 $0x0, s0;
	[sflag:s31] =	ssyncset.done $0x0  }
0xcf: {  	[sflag:s31] =	ssyncadd.s32 s0;
	s0 =	simm.s32 $0x0  }
.LBB2_19:
0xd0: {  	v1 =	vld [tilespmem:s26+$0xFFFFFFE0];
	_ =	sdelay $0x4  }
0xd1: {  	[tilespmem:s4+$0x88] =	vst.add.f32.msk $0xffff, v1  }
0xd2: {  	v1 =	vld [tilespmem:s26+$0xFFFFFFF0];
	_ =	sdelay $0x4  }
0xd3: {  	[tilespmem:s4+$0x98] =	vst.add.f32.msk $0xffff, v1  }
0xd4: {  	v1 =	vld [tilespmem:s26+$0x0];
	_ =	sdelay $0x4  }
0xd5: {  	[tilespmem:s4+$0xA8] =	vst.add.f32.msk $0xffff, v1  }
0xd6: {  	v1 =	vld [tilespmem:s26+$0x10];
	_ =	sdelay $0x4  }
0xd7: {  	[tilespmem:s4+$0xB8] =	vst.add.f32.msk $0xffff, v1  }
.LBB2_23:
0xd8: {  	s28 =	sadd.s32 $0x1, s28  }
0xd9: {  	p2 =	seq.s32 s28, $0x0  }
.Ltmp17:
0xda: {  	_ = 	snop;
	(pc) =	sbr.rel @p2 .LBB2_24-.Ltmp17, $2  }
0xdb: {  	_ =	sdelay $0x2  }
0xdc: {  	s26 =	sadd.s32 $0x80, s26;
	s24 =	sadd.s32 $0x1, s24;
	s30 =	smov.u32 s31  }
.LBB2_18:
0xdd: {  	v1 =	vld.msk [tilespmem:s24+$0x0], $0x1;
	_ =	sdelay $0x4  }
0xde: {  	(v2sf) =	vpush v1, $0x0;
	_ =	sdelay $0xe  }
0xdf: {  	s31 =	spop (v2sf)  }
0xe0: {  	p2 =	sne.s32 s30, s31  }
.Ltmp18:
0xe1: {  	_ = 	snop;
	(pc) =	sbr.rel @!p2 .LBB2_19-.Ltmp18, $3  }
0xe2: {  	_ =	sdelay $0x1  }
0xe3: {  	s2 =	sshll.u32 s23, $0x8  }
0xe4: {  	s4 =	sshra.s32 s2, $0x2  }
0xe5: {  	p2 =	seq.s32 s30, s25  }
.Ltmp19:
0xe6: {  	_ = 	snop;
	(pc) =	sbr.rel @!p2 .LBB2_21-.Ltmp19, $1  }
0xe7: {  	_ =	sdelay $0x3  }
.Ltmp20:
0xe8: {  	s2 =	sadd.s32 $0x88, s4;
	(pc) =	sbr.rel .LBB2_22-.Ltmp20, $4  }
0xe9: {  	[spmem:s16] =	stream.linear.scatter [tilespmem:s2], [sflag:$0x1], $0x40, $0x38;
	[tilespmem:$0x1EF88] =	vst v63  }
0xea: {  	_ =	swait.ge [sflag:s12], $0x40  }
0xeb: {  	[sflag:s12] =	ssyncset.done $0x0  }
0xec: {  	[sflag:s12] =	ssyncadd.s32 $0xFFFFFFC0  }
.LBB2_21:
0xed: {  	s2 =	sshll.u32 s29, $0x8  }
0xee: {  	s2 =	sshra.s32 s2, $0x2  }
0xef: {  	v1 =	vld [tilespmem:s2+$0x50C8];
	_ =	sdelay $0x4  }
0xf0: {  	[tilespmem:s4+$0x88] =	vst.add.f32.msk $0xffff, v1  }
0xf1: {  	v1 =	vld [tilespmem:s2+$0x50D8];
	_ =	sdelay $0x4  }
0xf2: {  	[tilespmem:s4+$0x98] =	vst.add.f32.msk $0xffff, v1  }
0xf3: {  	v1 =	vld [tilespmem:s2+$0x50E8];
	_ =	sdelay $0x4  }
0xf4: {  	[tilespmem:s4+$0xA8] =	vst.add.f32.msk $0xffff, v1  }
0xf5: {  	v1 =	vld [tilespmem:s2+$0x50F8];
	_ =	sdelay $0x2  }
0xf6: {  	p2 =	sgt.u32 s30, $0x40078  }
0xf7: {  	s2 =	sand.u32 @!p2 $0x7FFF8, s30  }
0xf8: {  	s3 =	sadd.s32 $0x88, s4;
	s2 =	sadd.s32 @!p2 s1, s2;
	[tilespmem:s4+$0xB8] =	vst.add.f32.msk $0xffff, v1;
	s4 =	sand.u32 @!p2 $0x7, s30  }
0xf9: {  	[hbm4b:s2+s4] =	stream.linear.scatter @!p2 [tilespmem:s3], [sflag:$0xC], $0x40, $0x38;
	[tilespmem:$0x1EF88] =	vst v63  }
0xfa: {  	s2 =	simm.s32 $0x0  }
0xfb: {  	s2 =	simm.s32 @!p2 $0x100  }
0xfc: {  	s0 =	sadd.s32 s2, s0  }
.LBB2_22:
0xfd: {  	s2 =	sadd.s32 $0x1, s23  }
0xfe: {  	s3 =	smulhi.u32 $0xCCCCCCCD, s2;
	_ =	sdelay $0x1  }
0xff: {  	v1 =	vld [tilespmem:s26+$0xFFFFFFE0];
	s3 =	sshrl.u32 s3, $0x8  }
0x100: {  	s3 =	smul.u32 $0x140, s3;
	_ =	sdelay $0x1  }
0x101: {  	s23 =	ssub.s32 s2, s3  }
0x102: {  	s2 =	sshll.u32 s23, $0x6  }
0x103: {  	[tilespmem:s2+$0x88] =	vst v1  }
0x104: {  	v1 =	vld [tilespmem:s26+$0xFFFFFFF0];
	_ =	sdelay $0x4  }
0x105: {  	[tilespmem:s2+$0x98] =	vst v1  }
0x106: {  	v1 =	vld [tilespmem:s26+$0x0];
	_ =	sdelay $0x4  }
0x107: {  	[tilespmem:s2+$0xA8] =	vst v1  }
0x108: {  	v1 =	vld [tilespmem:s26+$0x10]  }
.Ltmp21:
0x109: {  	_ = 	snop;
	(pc) =	sbr.rel .LBB2_23-.Ltmp21, $2  }
0x10a: {  	_ =	sdelay $0x2  }
0x10b: {  	s29 =	sadd.s32 $0x1, s29;
	[tilespmem:s2+$0xB8] =	vst v1  }
.LBB2_25:
.Ltmp22:
0x10c: {  	(pc) =	sbr.rel .LBB2_26-.Ltmp22, $4  }
0x10d: {  	_ = 	snop  }
0x10e: {  	s0 =	simm.s32 $0x2  }
0x10f: {  	_ =	swait.ge [sflag:s0], $0x0  }
0x110: {  	s31 =	smov.u32 s30;
	[sflag:s0] =	ssyncset.done $0x0;
	s0 =	simm.s32 $0x0  }
.LBB2_28:
0x111: {  	_ =	sfence.sel $0x180000  }
0x112: {  	s0 =	simm.s32 $0x9;
	[bflag:$0x0] =	sbarrier.arrive $0xFFFF  }
0x113: {  	s24 =	simm.s32 $0xA;
	[sflag:s0] =	ssyncpa.u1 $0x1  }
0x114: {  	s25 =	simm.s32 $0xB;
	[sflag:s24] =	ssyncpa.u1 $0x1  }
0x115: {  	s26 =	simm.s32 $0x2;
	[sflag:s25] =	ssyncpa.u1 $0x1  }
0x116: {  	[sflag:s26] =	ssyncpa.u1 $0x1  }
0x117: {  	v0 =	vld [tilespmem:$0xA108];
	_ =	sdelay $0x4  }
0x118: {  	(v2sf) =	vpush v0, $0x0  }
0x119: {  	(v2sf) =	vpush v0, $0x1;
	_ =	sdelay $0x1  }
0x11a: {  	(v2sf) =	vpush v0, $0x2;
	_ =	sdelay $0xb  }
0x11b: {  	s0 =	spop (v2sf)  }
0x11c: {  	s2 =	spop (v2sf)  }
0x11d: {  	s3 =	smov.u32 s0;
	p0 =	sne.s32 s0, s2  }
0x11e: {  	s4 =	spop (v2sf);
	s3 =	simm.s32 @!p0 $0xFFFFFFFF  }
0x11f: {  	v2 =	vimm.s32 $0x1;
	v3 =	vlaneseq.u32;
	p0 =	seq.s32 s4, $0xFFFFFFFF;
	v1 =	vmov s3  }
0x120: {  	s15 =	stileid.u32;
	v0 =	vperm.xlane v0, v2;
	p1 =	sne.s32 @!p0 s0, s2;
	v1 =	vperm.xlane v1, v3  }
0x121: {  	vm0 =	vcmask $0x3F04;
	s6 =	simm.s32 $0xA108;
	s0 =	simm.s32 @!p0 $0x1;
	p1 =	por !p1, p0  }
0x122: {  	s3 =	sshll.u32 s15, $0x1;
	s2 =	sshll.u32 @!p0 s4, $0x8;
	s0 =	simm.s32 @p1 $0x0;
	v0 =	vsel vm0, v1, v0  }
0x123: {  	s5 =	sor.u32 $0x800, s3;
	s2 =	sshra.s32 @!p0 s2, $0x2;
	s0 =	sor.u32 @!p0 s0, s3;
	[tilespmem:$0xA108] =	vst v0  }
0x124: {  	[spmem:s5] =	stream.linear.scatter [tilespmem:s6], [sflag:$0x1], $0x2, $0x38;
	[tilespmem:$0x1EF88] =	vst v63  }
0x125: {  	s2 =	sadd.s32 @!p0 $0x88, s2;
	s0 =	sshll.u32 @!p0 s0, $0x6  }
0x126: {  	[spmem:s0] =	stream.linear.scatter @!p0 [tilespmem:s2], [sflag:$0x1], $0x40, $0x38;
	[tilespmem:$0x1EF88] =	vst v63  }
0x127: {  	s0 =	simm.s32 @!p0 $0x42  }
0x128: {  	s28 =	simm.s32 $0x1;
	s0 =	simm.s32 @p0 $0x2  }
0x129: {  	_ =	swait.ge [sflag:s28], s0  }
0x12a: {  	s0 =	ssub.s32 $0x0, s0;
	[sflag:s28] =	ssyncset.done $0x0  }
0x12b: {  	p0 =	sne.s32 s15, $0x0;
	[sflag:s28] =	ssyncadd.s32 s0  }
.Ltmp23:
0x12c: {  	_ =	sfence.stream.spmem;
	(pc) =	sbr.rel @p0 .LBB2_45-.Ltmp23, $4  }
0x12d: {  	s29 =	simm.s32 $0x3;
	[bflag:$0x0] =	sbarrier.arrive $0xFFFF  }
0x12e: {  	s30 =	simm.s32 $0x4;
	[sflag:s29] =	ssyncpa.u1 $0x1  }
0x12f: {  	s31 =	simm.s32 $0x3C;
	[sflag:s30] =	ssyncpa.u1 $0x1  }
0x130: {  	s14 =	rddreg [dreg:$0x5];
	[sflag:s31] =	ssyncpa.u1 $0x1  }
0x131: {  	_ =	sfence.stream.spmem;
	s0 =	simm.s32 $0x5  }
0x132: {  	s2 =	simm.s32 $0x800;
	s3 =	simm.s32 $0xA118;
	[sflag:s0] =	ssyncpa.u1 $0x0  }
0x133: {  	[tilespmem:s3], [sflag:$0x5] =	stream.linear.gather [spmem:s2], $0x20, $0x38;
	[tilespmem:$0x1EF88] =	vst v63  }
0x134: {  	s26 =	simm.s32 $0x0;
	s28 =	simm.s32 $0xA138  }
0x135: {  	[tilespmem:s28], [sflag:$0x5] =	stream.linear.gather [spmem:s26], $0x800, $0x38;
	[tilespmem:$0x1EF88] =	vst v63  }
0x136: {  	_ =	swait.ge [sflag:s0], $0x820  }
0x137: {  	[sflag:s0] =	ssyncset.done $0x0  }
0x138: {  	s29 =	simm.s32 $0x0;
	[sflag:s0] =	ssyncadd.s32 $0xFFFFF7E0  }
0x139: {  	v0 =	vld.msk [tilespmem:s29+$0xA118], $0x1;
	_ =	sdelay $0x1  }
0x13a: {  	s30 =	simm.s32 $0x1  }
0x13b: {  	v1 =	vld.msk [tilespmem:s30+$0xA118], $0x1;
	_ =	sdelay $0x1  }
0x13c: {  	(v2sf) =	vpush v0, $0x0;
	_ =	sdelay $0x2  }
0x13d: {  	(v2sf) =	vpush v1, $0x0;
	_ =	sdelay $0x2  }
0x13e: {  	s31 =	simm.s32 $0x2  }
0x13f: {  	v0 =	vld.msk [tilespmem:s31+$0xA118], $0x1;
	_ =	sdelay $0x2  }
0x140: {  	s4 =	simm.s32 $0xFFFFFFFF;
	s2 =	simm.s32 $0xFFFFFFFF;
	s0 =	simm.s32 $0xC  }
.LBB2_30:
0x141: {  	s3 =	smov.u32 s4;
	s5 =	smov.u32 s2  }
0x142: {  	s2 =	sshra.s32 s0, $0x2;
	p1 =	sne.s32 s0, $0x7C;
	s0 =	sadd.s32 $0x4, s0;
	(v2sf) =	vpush v0, $0x0  }
0x143: {  	v0 =	vld.msk [tilespmem:s2+$0xA118], $0x1  }
.Ltmp24:
0x144: {  	(pc) =	sbr.rel @p1 .LBB2_30-.Ltmp24, $4  }
0x145: {  	s4 =	spop (v2sf)  }
0x146: {  	p2 =	sne.s32 s5, $0xFFFFFFFF;
	s2 =	smov.u32 s4  }
0x147: {  	p3 =	seq.s32 s4, $0xFFFFFFFF;
	s2 =	smov.u32 @p2 s5  }
0x148: {  	s4 =	smov.u32 @p3 s3;
	s2 =	smov.u32 @p3 s5  }
0x149: {  	(v2sf) =	vpush v0, $0x0;
	_ =	sdelay $0x8  }
0x14a: {  	s0 =	spop (v2sf)  }
0x14b: {  	p1 =	sne.s32 s2, $0xFFFFFFFF;
	s3 =	smov.u32 s0  }
0x14c: {  	s9 =	simm.s32 $0x6;
	p2 =	seq.s32 s0, $0xFFFFFFFF;
	s3 =	smov.u32 @p1 s2  }
0x14d: {  	s6 =	simm.s32 $0x0;
	s3 =	smov.u32 @p2 s2;
	s2 =	spop (v2sf)  }
0x14e: {  	s0 =	smov.u32 @p2 s4;
	p1 =	sne.s32 s3, $0xFFFFFFFF;
	s5 =	smov.u32 s2  }
.Ltmp25:
0x14f: {  	p2 =	seq.s32 s2, $0xFFFFFFFF;
	s5 =	smov.u32 @p1 s3;
	(pc) =	sbr.rel .LBB2_32-.Ltmp25, $4  }
0x150: {  	s10 =	simm.s32 $0xA0C8;
	s5 =	smov.u32 @p2 s3;
	s7 =	spop (v2sf)  }
0x151: {  	s11 =	simm.s32 $0x0;
	p1 =	sne.s32 s5, $0xFFFFFFFF;
	s8 =	smov.u32 s7  }
0x152: {  	s2 =	smov.u32 @p2 s0;
	p2 =	seq.s32 s7, $0xFFFFFFFF;
	s8 =	smov.u32 @p1 s5  }
0x153: {  	[sflag:s9] =	ssyncpa.u1 $0x0;
	s7 =	smov.u32 @p2 s2;
	s8 =	smov.u32 @p2 s5  }
.LBB2_38:
0x154: {  	p1 =	sgt.u32 s12, $0x40078  }
0x155: {  	p2 =	seq.s32 @!p1 s12, s8  }
0x156: {  	p1 =	por p1, p2  }
0x157: {  	p2 =	sne.s32 @!p1 s12, s7  }
0x158: {  	p1 =	por p1, !p2  }
0x159: {  	s0 =	sshll.u32 @p1 s11, $0x8  }
0x15a: {  	s0 =	sand.u32 @!p1 $0x7FFF8, s12  }
0x15b: {  	s2 =	sand.u32 @!p1 $0x7, s12;
	s0 =	sadd.s32 @!p1 s1, s0  }
0x15c: {  	[tilespmem:s10], [sflag:$0x6] =	stream.linear.gather @!p1 [hbm4b:s0+s2], $0x40, $0x38;
	[tilespmem:$0x1EF88] =	vst v63  }
0x15d: {  	_ =	swait.ge @!p1 [sflag:s9], $0x40  }
0x15e: {  	[sflag:s9] =	ssyncset.done @!p1 $0x0  }
0x15f: {  	[sflag:s9] =	ssyncadd.s32 @!p1 $0xFFFFFFC0  }
0x160: {  	v1 =	vld @!p1 [tilespmem:$0xA0C8];
	_ =	sdelay $0x2  }
0x161: {  	s0 =	sshll.u32 @!p1 s11, $0x8  }
0x162: {  	s2 =	sshrl.u32 @!p1 s0, $0x2  }
0x163: {  	[tilespmem:s2+$0xA138] =	vst.add.f32.msk @!p1 $0xffff, v1  }
0x164: {  	v1 =	vld @!p1 [tilespmem:$0xA0D8];
	_ =	sdelay $0x4  }
0x165: {  	[tilespmem:s2+$0xA148] =	vst.add.f32.msk @!p1 $0xffff, v1  }
0x166: {  	v1 =	vld @!p1 [tilespmem:$0xA0E8];
	_ =	sdelay $0x4  }
0x167: {  	[tilespmem:s2+$0xA158] =	vst.add.f32.msk @!p1 $0xffff, v1  }
0x168: {  	v1 =	vld @!p1 [tilespmem:$0xA0F8];
	_ =	sdelay $0x4  }
0x169: {  	[tilespmem:s2+$0xA168] =	vst.add.f32.msk @!p1 $0xffff, v1  }
0x16a: {  	s0 =	sshrl.u32 s0, $0x2;
	[tilespmem:s6+$0xA118] =	vst.msk $0x1, v0  }
0x16b: {  	v0 =	vld [tilespmem:s0+$0xA138];
	_ =	sdelay $0x2  }
0x16c: {  	s31 =	sshll.u32 s6, $0x8  }
0x16d: {  	s2 =	sshra.s32 s31, $0x2  }
0x16e: {  	[tilespmem:s2+$0xA138] =	vst v0  }
0x16f: {  	v0 =	vld [tilespmem:s0+$0xA148];
	_ =	sdelay $0x4  }
0x170: {  	[tilespmem:s2+$0xA148] =	vst v0  }
0x171: {  	v0 =	vld [tilespmem:s0+$0xA158];
	_ =	sdelay $0x4  }
0x172: {  	[tilespmem:s2+$0xA158] =	vst v0  }
0x173: {  	v0 =	vld [tilespmem:s0+$0xA168];
	_ =	sdelay $0x4  }
0x174: {  	s6 =	sadd.s32 $0x1, s6;
	[tilespmem:s2+$0xA168] =	vst v0  }
.LBB2_39:
0x175: {  	s11 =	sadd.s32 $0x1, s11  }
0x176: {  	p1 =	sne.s32 s11, $0x20  }
.Ltmp26:
0x177: {  	_ = 	snop;
	(pc) =	sbr.rel @!p1 .LBB2_40-.Ltmp26, $1  }
0x178: {  	_ =	sdelay $0x3  }
.LBB2_32:
0x179: {  	v0 =	vld.msk [tilespmem:s11+$0xA118], $0x1;
	_ =	sdelay $0x4  }
0x17a: {  	(v2sf) =	vpush v0, $0x0;
	_ =	sdelay $0xe  }
0x17b: {  	s12 =	spop (v2sf)  }
0x17c: {  	p1 =	seq.s32 s12, $0xFFFFFFFF  }
.Ltmp27:
0x17d: {  	_ = 	snop;
	(pc) =	sbr.rel @p1 .LBB2_39-.Ltmp27, $1  }
0x17e: {  	_ =	sdelay $0x3  }
0x17f: {  	p1 =	slt.s32 s6, $0x1  }
.Ltmp28:
0x180: {  	_ = 	snop;
	(pc) =	sbr.rel @p1 .LBB2_38-.Ltmp28, $1  }
0x181: {  	_ =	sdelay $0x3  }
0x182: {  	s0 =	simm.s32 $0xA118;
	p1 =	por $0x0, $0x0  }
0x183: {  	v1 =	vld.msk @!p1 [tilespmem:s0+$0x0], $0x1;
	_ =	sdelay $0x4  }
0x184: {  	(v2sf) =	vpush @!p1 v1, $0x0;
	_ =	sdelay $0xd  }
0x185: {  	p3 =	sne.s32 s6, $0x1  }
.Ltmp29:
0x186: {  	s2 =	spop @!p1 (v2sf);
	(pc) =	sbr.rel @!p3 .LBB2_36-.Ltmp29, $4  }
0x187: {  	p2 =	seq.s32 @!p1 s12, s2  }
0x188: {  	s13 =	simm.s32 $0x0;
	p2 =	por !p2, p1  }
0x189: {  	s2 =	simm.s32 $0xFFFFFFFF;
	s13 =	simm.s32 @p2 $0xFFFFFFFF  }
0x18a: {  	s4 =	simm.s32 $0x1;
	s13 =	smov.u32 @p1 s2  }
.LBB2_35:
0x18b: {  	s2 =	smov.u32 s13;
	p1 =	sne.s32 s13, $0xFFFFFFFF  }
0x18c: {  	s0 =	sadd.s32 $0x1, s0;
	s13 =	smov.u32 s4;
	s4 =	sadd.s32 $0x1, s4  }
0x18d: {  	p2 =	sne.s32 s6, s4;
	v1 =	vld.msk @!p1 [tilespmem:s0+$0x0], $0x1;
	_ =	sdelay $0x4  }
0x18e: {  	(v2sf) =	vpush @!p1 v1, $0x0;
	_ =	sdelay $0xe  }
.Ltmp30:
0x18f: {  	s3 =	spop @!p1 (v2sf);
	(pc) =	sbr.rel @p2 .LBB2_35-.Ltmp30, $4  }
0x190: {  	p3 =	seq.s32 @!p1 s12, s3  }
0x191: {  	p3 =	por !p3, p1  }
0x192: {  	s13 =	simm.s32 @p3 $0xFFFFFFFF  }
0x193: {  	s13 =	smov.u32 @p1 s2  }
.LBB2_36:
0x194: {  	p1 =	seq.s32 s13, $0xFFFFFFFF  }
.Ltmp31:
0x195: {  	_ = 	snop;
	(pc) =	sbr.rel @p1 .LBB2_38-.Ltmp31, $1  }
0x196: {  	_ =	sdelay $0x3  }
0x197: {  	s0 =	sshll.u32 s11, $0x6  }
0x198: {  	s0 =	sand.u32 $0x3FFFFFC0, s0  }
0x199: {  	v0 =	vld [tilespmem:s0+$0xA138];
	_ =	sdelay $0x2  }
0x19a: {  	s2 =	sshll.u32 s13, $0x8  }
0x19b: {  	s2 =	sshra.s32 s2, $0x2  }
0x19c: {  	[tilespmem:s2+$0xA138] =	vst.add.f32.msk $0xffff, v0  }
0x19d: {  	v0 =	vld [tilespmem:s0+$0xA148];
	_ =	sdelay $0x4  }
0x19e: {  	[tilespmem:s2+$0xA148] =	vst.add.f32.msk $0xffff, v0  }
0x19f: {  	v0 =	vld [tilespmem:s0+$0xA158];
	_ =	sdelay $0x4  }
0x1a0: {  	[tilespmem:s2+$0xA158] =	vst.add.f32.msk $0xffff, v0  }
0x1a1: {  	v0 =	vld [tilespmem:s0+$0xA168]  }
.Ltmp32:
0x1a2: {  	_ = 	snop;
	(pc) =	sbr.rel .LBB2_39-.Ltmp32, $2  }
0x1a3: {  	_ =	sdelay $0x2  }
0x1a4: {  	[tilespmem:s2+$0xA168] =	vst.add.f32.msk $0xffff, v0  }
.LBB2_40:
0x1a5: {  	s0 =	simm.s32 $0x6;
	p1 =	seq.s32 s6, $0x0  }
0x1a6: {  	[sflag:s0] =	ssyncpa.u1 $0x1;
	v0 =	vimm.s32 @p1 $0xFFFFFFFF  }
0x1a7: {  	s0 =	sadd.s32 $0xFFFFFFFF, s6;
	[tilespmem:$0xA938] =	vst @p1 v0  }
0x1a8: {  	v0 =	vld.msk @!p1 [tilespmem:s0+$0xA118], $0x1;
	_ =	sdelay $0x1  }
0x1a9: {  	v1 =	vld.msk @!p1 [tilespmem:$0xA118], $0x1;
	_ =	sdelay $0x2  }
0x1aa: {  	p2 =	seq.s32 @!p1 s0, $0x0;
	v0 =	vbroadcast @!p1 v0, $0x0  }
0x1ab: {  	vm0 =	vmmov @!p1 $0x1;
	p2 =	por !p2, p1  }
0x1ac: {  	v1 =	vnsel @!p1 vm0, $0xFFFFFFFF, v1;
	vm0 =	vcmask @!p1 $0x308;
	v0 =	vpsel !p2, $0xFFFFFFFF, v0  }
0x1ad: {  	p2 =	sne.s32 @!p1 s8, s7;
	v0 =	vsel @!p1 vm0, v1, v0  }
0x1ae: {  	s2 =	simm.s32 @!p1 $0xA138;
	s3 =	simm.s32 @!p1 $0x0;
	p3 =	por !p2, p1;
	[tilespmem:$0xA938] =	vst @!p1 v0  }
0x1af: {  	[spmem:s3] =	stream.linear.scatter @!p1 [tilespmem:s2], [sflag:$0x1], $0x40, $0x38;
	[tilespmem:$0x1EF88] =	vst v63  }
0x1b0: {  	s2 =	sshll.u32 @!p3 s0, $0x8  }
0x1b1: {  	s2 =	sshra.s32 @!p3 s2, $0x2  }
0x1b2: {  	s3 =	simm.s32 @!p3 $0x40;
	s2 =	sadd.s32 @!p3 $0xA138, s2  }
0x1b3: {  	[spmem:s3] =	stream.linear.scatter @!p3 [tilespmem:s2], [sflag:$0x1], $0x40, $0x38;
	[tilespmem:$0x1EF88] =	vst v63  }
0x1b4: {  	s2 =	simm.s32 @!p3 $0x1  }
0x1b5: {  	_ =	swait.ge @!p3 [sflag:s2], $0x80  }
0x1b6: {  	p1 =	por p2, p1;
	[sflag:s2] =	ssyncset.done @!p3 $0x0  }
0x1b7: {  	[sflag:s2] =	ssyncadd.s32 @!p3 $0xFFFFFF80;
	s2 =	simm.s32 @!p1 $0x1  }
0x1b8: {  	_ =	swait.ge @!p1 [sflag:s2], $0x40  }
0x1b9: {  	s29 =	simm.s32 $0xA938;
	[sflag:s2] =	ssyncset.done @!p1 $0x0  }
0x1ba: {  	s30 =	simm.s32 $0x800;
	s31 =	simm.s32 $0x1;
	[sflag:s2] =	ssyncadd.s32 @!p1 $0xFFFFFFC0  }
0x1bb: {  	[spmem:s30] =	stream.linear.scatter [tilespmem:s29], [sflag:$0x1], $0x10, $0x38;
	[tilespmem:$0x1EF88] =	vst v63  }
0x1bc: {  	_ =	swait.ge [sflag:s31], $0x10  }
0x1bd: {  	[sflag:s31] =	ssyncset.done $0x0  }
0x1be: {  	p1 =	seq.s32 s14, $0x0;
	s9 =	rddreg [dreg:$0x2];
	[sflag:s31] =	ssyncadd.s32 $0xFFFFFFF0  }
0x1bf: {  	s3 =	sshll.u32 @p1 s9, $0xE;
	s8 =	rddreg [dreg:$0x3]  }
0x1c0: {  	s2 =	sadd.s32 @p1 $0x15C3C, s3;
	s3 =	sshll.u32 @p1 s8, $0x11  }
0x1c1: {  	_ =	sfence.stream.spmem;
	s2 =	sor.u32 @p1 s3, s2  }
0x1c2: {  	[sflag:s2] =	ssyncadd.remote.s32 @p1 $0x1;
	s2 =	simm.s32 @p1 $0x4  }
0x1c3: {  	s4 =	simm.s32 @!p1 $0x3C;
	s3 =	sand.u32 $0xFFFFFFFE, s9;
	_ =	swait.ge @p1 [sflag:s2], $0x12  }
0x1c4: {  	s5 =	simm.s32 @!p1 $0x0;
	s3 =	sadd.s32 @!p1 $0x4, s3;
	[sflag:s2] =	ssyncset.done @p1 $0x0  }
0x1c5: {  	s7 =	simm.s32 @!p1 $0x80;
	[sflag:s2] =	ssyncadd.s32 @p1 $0xFFFFFFEE;
	s2 =	sshll.u32 @!p1 s3, $0x1A  }
0x1c6: {  	s3 =	sshll.u32 @!p1 s3, $0xD;
	s2 =	sor.u32 @!p1 s2, s8;
	_ =	swait.eq @!p1 [sflag:s4], $0x1  }
0x1c7: {  	s3 =	sor.u32 @!p1 $0x1C04, s3;
	s4 =	simm.s32 @!p1 $0x1C03;
	s2 =	sor.u32 @!p1 $0x80004000, s2  }
0x1c8: {  	[spmem:s7], [sflag:s3] =	dma.general @!p1 [spmem:s5], [sflag:s4], length:$0x10, [dreg:$0x0], stride_count:$0x0, ici_dest:s2, dma_misc:DstOpCode:WRITE  }
0x1c9: {  	p2 =	slt.s32 s0, $0x2;
	s5 =	simm.s32 @!p1 $0x100;
	s7 =	simm.s32 @!p1 $0x102  }
0x1ca: {  	[spmem:s7], [sflag:s3] =	dma.general @!p1 [spmem:s5], [sflag:s4], length:$0x2, [dreg:$0x0], stride_count:$0x0, ici_dest:s2, dma_misc:DstOpCode:WRITE  }
.Ltmp33:
0x1cb: {  	s2 =	simm.s32 @!p1 $0x3;
	(pc) =	sbr.rel @p2 .LBB2_44-.Ltmp33, $4  }
0x1cc: {  	s3 =	sshll.u32 @!p1 s9, $0xE;
	_ =	swait.ge @!p1 [sflag:s2], $0x12  }
0x1cd: {  	s4 =	sshll.u32 @!p1 s8, $0x11;
	s3 =	sadd.s32 @!p1 $0x11C3C, s3;
	[sflag:s2] =	ssyncset.done @!p1 $0x0  }
0x1ce: {  	[sflag:s2] =	ssyncadd.s32 @!p1 $0xFFFFFFEE;
	s2 =	sor.u32 @!p1 s4, s3  }
0x1cf: {  	s0 =	simm.s32 $0x0;
	[sflag:s2] =	ssyncadd.remote.s32 @!p1 $0xFFFFFFFF  }
0x1d0: {  	s0 =	simm.s32 $0xA119  }
0x1d1: {  	v0 =	vld.msk [tilespmem:s0+$0x0], $0x1;
	_ =	sdelay $0x4  }
0x1d2: {  	(v2sf) =	vpush v0, $0x0;
	_ =	sdelay $0xd  }
0x1d3: {  	s3 =	sadd.s32 $0xFFFFFFFE, s6  }
0x1d4: {  	s4 =	sadd.s32 $0xFFFFFFFF, s3;
	s2 =	spop (v2sf)  }
0x1d5: {  	p2 =	sne.s32 s4, $0x0;
	p1 =	sgt.u32 s2, $0x40078  }
.Ltmp34:
0x1d6: {  	s5 =	sand.u32 @!p1 $0x7FFF8, s2;
	(pc) =	sbr.rel @!p2 .LBB2_43-.Ltmp34, $4  }
0x1d7: {  	s0 =	simm.s32 $0xA178;
	s2 =	sand.u32 @!p1 $0x7, s2;
	s3 =	sadd.s32 @!p1 s1, s5  }
0x1d8: {  	[hbm4b:s3+s2] =	stream.linear.scatter @!p1 [tilespmem:s0], [sflag:$0x5], $0x40, $0x38;
	[tilespmem:$0x1EF88] =	vst v63  }
0x1d9: {  	s2 =	simm.s32 $0x0  }
0x1da: {  	s6 =	simm.s32 $0xA11A;
	s5 =	simm.s32 $0x0;
	s2 =	simm.s32 @!p1 $0x100  }
.LBB2_42:
0x1db: {  	v0 =	vld.msk [tilespmem:s6+$0x0], $0x1;
	s4 =	sadd.s32 $0xFFFFFFFF, s4;
	s5 =	sadd.s32 s5, s2  }
0x1dc: {  	p1 =	sne.s32 s4, $0x0;
	_ =	sdelay $0x3  }
0x1dd: {  	(v2sf) =	vpush v0, $0x0;
	_ =	sdelay $0xe  }
.Ltmp35:
0x1de: {  	s3 =	spop (v2sf);
	(pc) =	sbr.rel @p1 .LBB2_42-.Ltmp35, $4  }
0x1df: {  	s2 =	simm.s32 $0x0;
	p2 =	sgt.u32 s3, $0x40078  }
0x1e0: {  	s0 =	sadd.s32 $0x40, s0;
	s2 =	simm.s32 @!p2 $0x100;
	s7 =	sand.u32 @!p2 $0x7FFF8, s3  }
0x1e1: {  	s6 =	sadd.s32 $0x1, s6;
	s3 =	sand.u32 @!p2 $0x7, s3;
	s7 =	sadd.s32 @!p2 s1, s7  }
0x1e2: {  	[hbm4b:s7+s3] =	stream.linear.scatter @!p2 [tilespmem:s0], [sflag:$0x5], $0x40, $0x38;
	[tilespmem:$0x1EF88] =	vst v63  }
.LBB2_43:
0x1e3: {  	s0 =	sadd.s32 s5, s2  }
0x1e4: {  	s0 =	sshrl.u32 s0, $0x2  }
.LBB2_44:
0x1e5: {  	s2 =	simm.s32 $0x5  }
0x1e6: {  	_ =	swait.ge [sflag:s2], s0  }
0x1e7: {  	s31 =	ssub.s32 $0x0, s0;
	[sflag:s2] =	ssyncset.done $0x0  }
0x1e8: {  	[sflag:s2] =	ssyncadd.s32 s31  }
0x1e9: {  	[sflag:s2] =	ssyncpa.u1 $0x1  }
.LBB2_45:
0x1ea: {  	s0 =	sor.u32 s14, s15  }
0x1eb: {  	p1 =	sne.s32 s0, $0x0  }
.Ltmp36:
0x1ec: {  	_ = 	snop;
	(pc) =	sbr.rel @p1 .LBB2_60-.Ltmp36, $3  }
0x1ed: {  	_ =	sdelay $0x1  }
0x1ee: {  	[bflag:$0x0] =	sbarrier.arrive $0xFFFF  }
0x1ef: {  	_ =	sfence  }
0x1f0: {  	s0 =	simm.s32 $0x7  }
0x1f1: {  	s2 =	simm.s32 $0x800;
	s3 =	simm.s32 $0xA118;
	[sflag:s0] =	ssyncpa.u1 $0x0  }
0x1f2: {  	[tilespmem:s3], [sflag:$0x7] =	stream.linear.gather [spmem:s2], $0x20, $0x38;
	[tilespmem:$0x1EF88] =	vst v63  }
0x1f3: {  	s30 =	simm.s32 $0xA138;
	s2 =	simm.s32 $0x0  }
0x1f4: {  	[tilespmem:s30], [sflag:$0x7] =	stream.linear.gather [spmem:s2], $0x800, $0x38;
	[tilespmem:$0x1EF88] =	vst v63  }
.Ltmp37:
0x1f5: {  	_ = 	snop;
	(pc) =	sbr.rel .LBB2_47-.Ltmp37, $4  }
0x1f6: {  	_ =	swait.ge [sflag:s0], $0x820  }
0x1f7: {  	[sflag:s0] =	ssyncset.done $0x0  }
0x1f8: {  	s31 =	simm.s32 $0x8;
	[sflag:s0] =	ssyncadd.s32 $0xFFFFF7E0  }
0x1f9: {  	s3 =	simm.s32 $0x0;
	[sflag:s31] =	ssyncpa.u1 $0x0  }
.LBB2_53:
0x1fa: {  	p1 =	slt.u32 s0, $0x40079  }
0x1fb: {  	s4 =	sand.u32 @p1 $0x7FFF8, s0  }
0x1fc: {  	s0 =	sand.u32 @p1 $0x7, s0;
	s5 =	simm.s32 @p1 $0xA0C8;
	s4 =	sadd.s32 @p1 s1, s4  }
0x1fd: {  	[tilespmem:s5], [sflag:$0x8] =	stream.linear.gather @p1 [hbm4b:s4+s0], $0x40, $0x38;
	[tilespmem:$0x1EF88] =	vst v63  }
0x1fe: {  	s0 =	simm.s32 @p1 $0x8  }
0x1ff: {  	_ =	swait.ge @p1 [sflag:s0], $0x40  }
0x200: {  	[sflag:s0] =	ssyncset.done @p1 $0x0  }
0x201: {  	[sflag:s0] =	ssyncadd.s32 @p1 $0xFFFFFFC0  }
0x202: {  	v1 =	vld @p1 [tilespmem:$0xA0C8];
	_ =	sdelay $0x2  }
0x203: {  	s0 =	sshll.u32 @p1 s3, $0x8  }
0x204: {  	s4 =	sshrl.u32 @p1 s0, $0x2  }
0x205: {  	[tilespmem:s4+$0xA138] =	vst.add.f32.msk @p1 $0xffff, v1  }
0x206: {  	v1 =	vld @p1 [tilespmem:$0xA0D8];
	_ =	sdelay $0x4  }
0x207: {  	[tilespmem:s4+$0xA148] =	vst.add.f32.msk @p1 $0xffff, v1  }
0x208: {  	v1 =	vld @p1 [tilespmem:$0xA0E8];
	_ =	sdelay $0x4  }
0x209: {  	[tilespmem:s4+$0xA158] =	vst.add.f32.msk @p1 $0xffff, v1  }
0x20a: {  	v1 =	vld @p1 [tilespmem:$0xA0F8];
	_ =	sdelay $0x3  }
0x20b: {  	s5 =	sshll.u32 @!p1 s3, $0x8  }
0x20c: {  	s5 =	smov.u32 @p1 s0;
	[tilespmem:s4+$0xA168] =	vst.add.f32.msk @p1 $0xffff, v1  }
0x20d: {  	s0 =	sshrl.u32 s5, $0x2;
	[tilespmem:s2+$0xA118] =	vst.msk $0x1, v0  }
0x20e: {  	v0 =	vld [tilespmem:s0+$0xA138];
	_ =	sdelay $0x2  }
0x20f: {  	s31 =	sshll.u32 s2, $0x8  }
0x210: {  	s4 =	sshra.s32 s31, $0x2  }
0x211: {  	[tilespmem:s4+$0xA138] =	vst v0  }
0x212: {  	v0 =	vld [tilespmem:s0+$0xA148];
	_ =	sdelay $0x4  }
0x213: {  	[tilespmem:s4+$0xA148] =	vst v0  }
0x214: {  	v0 =	vld [tilespmem:s0+$0xA158];
	_ =	sdelay $0x4  }
0x215: {  	[tilespmem:s4+$0xA158] =	vst v0  }
0x216: {  	v0 =	vld [tilespmem:s0+$0xA168];
	_ =	sdelay $0x4  }
0x217: {  	s2 =	sadd.s32 $0x1, s2;
	[tilespmem:s4+$0xA168] =	vst v0  }
.LBB2_54:
0x218: {  	s3 =	sadd.s32 $0x1, s3  }
0x219: {  	p1 =	sne.s32 s3, $0x20  }
.Ltmp38:
0x21a: {  	_ = 	snop;
	(pc) =	sbr.rel @!p1 .LBB2_55-.Ltmp38, $1  }
0x21b: {  	_ =	sdelay $0x3  }
.LBB2_47:
0x21c: {  	v0 =	vld.msk [tilespmem:s3+$0xA118], $0x1;
	_ =	sdelay $0x4  }
0x21d: {  	(v2sf) =	vpush v0, $0x0;
	_ =	sdelay $0xe  }
0x21e: {  	s0 =	spop (v2sf)  }
0x21f: {  	p1 =	seq.s32 s0, $0xFFFFFFFF  }
.Ltmp39:
0x220: {  	_ = 	snop;
	(pc) =	sbr.rel @p1 .LBB2_54-.Ltmp39, $1  }
0x221: {  	_ =	sdelay $0x3  }
0x222: {  	p1 =	slt.s32 s2, $0x1  }
.Ltmp40:
0x223: {  	_ = 	snop;
	(pc) =	sbr.rel @p1 .LBB2_53-.Ltmp40, $1  }
0x224: {  	_ =	sdelay $0x3  }
0x225: {  	s4 =	simm.s32 $0xA118;
	p1 =	por $0x0, $0x0  }
0x226: {  	v1 =	vld.msk @!p1 [tilespmem:s4+$0x0], $0x1;
	_ =	sdelay $0x4  }
0x227: {  	(v2sf) =	vpush @!p1 v1, $0x0;
	_ =	sdelay $0xd  }
0x228: {  	p3 =	sne.s32 s2, $0x1  }
.Ltmp41:
0x229: {  	s5 =	spop @!p1 (v2sf);
	(pc) =	sbr.rel @!p3 .LBB2_51-.Ltmp41, $4  }
0x22a: {  	p2 =	seq.s32 @!p1 s0, s5  }
0x22b: {  	s5 =	simm.s32 $0x0;
	p2 =	por !p2, p1  }
0x22c: {  	s7 =	simm.s32 $0xFFFFFFFF;
	s5 =	simm.s32 @p2 $0xFFFFFFFF  }
0x22d: {  	s6 =	simm.s32 $0x1;
	s5 =	smov.u32 @p1 s7  }
.LBB2_50:
0x22e: {  	s7 =	smov.u32 s5;
	p1 =	sne.s32 s5, $0xFFFFFFFF  }
0x22f: {  	s4 =	sadd.s32 $0x1, s4;
	s5 =	smov.u32 s6;
	s6 =	sadd.s32 $0x1, s6  }
0x230: {  	p2 =	sne.s32 s2, s6;
	v1 =	vld.msk @!p1 [tilespmem:s4+$0x0], $0x1;
	_ =	sdelay $0x4  }
0x231: {  	(v2sf) =	vpush @!p1 v1, $0x0;
	_ =	sdelay $0xe  }
.Ltmp42:
0x232: {  	s8 =	spop @!p1 (v2sf);
	(pc) =	sbr.rel @p2 .LBB2_50-.Ltmp42, $4  }
0x233: {  	p3 =	seq.s32 @!p1 s0, s8  }
0x234: {  	p3 =	por !p3, p1  }
0x235: {  	s5 =	simm.s32 @p3 $0xFFFFFFFF  }
0x236: {  	s5 =	smov.u32 @p1 s7  }
.LBB2_51:
0x237: {  	p1 =	seq.s32 s5, $0xFFFFFFFF  }
.Ltmp43:
0x238: {  	_ = 	snop;
	(pc) =	sbr.rel @p1 .LBB2_53-.Ltmp43, $1  }
0x239: {  	_ =	sdelay $0x3  }
0x23a: {  	s0 =	sshll.u32 s3, $0x6  }
0x23b: {  	s0 =	sand.u32 $0x3FFFFFC0, s0  }
0x23c: {  	v0 =	vld [tilespmem:s0+$0xA138];
	_ =	sdelay $0x2  }
0x23d: {  	s4 =	sshll.u32 s5, $0x8  }
0x23e: {  	s4 =	sshra.s32 s4, $0x2  }
0x23f: {  	[tilespmem:s4+$0xA138] =	vst.add.f32.msk $0xffff, v0  }
0x240: {  	v0 =	vld [tilespmem:s0+$0xA148];
	_ =	sdelay $0x4  }
0x241: {  	[tilespmem:s4+$0xA148] =	vst.add.f32.msk $0xffff, v0  }
0x242: {  	v0 =	vld [tilespmem:s0+$0xA158];
	_ =	sdelay $0x4  }
0x243: {  	[tilespmem:s4+$0xA158] =	vst.add.f32.msk $0xffff, v0  }
0x244: {  	v0 =	vld [tilespmem:s0+$0xA168]  }
.Ltmp44:
0x245: {  	_ = 	snop;
	(pc) =	sbr.rel .LBB2_54-.Ltmp44, $2  }
0x246: {  	_ =	sdelay $0x2  }
0x247: {  	[tilespmem:s4+$0xA168] =	vst.add.f32.msk $0xffff, v0  }
.LBB2_55:
0x248: {  	p1 =	slt.s32 s2, $0x1  }
.Ltmp45:
0x249: {  	_ = 	snop;
	(pc) =	sbr.rel @p1 .LBB2_59-.Ltmp45, $3  }
0x24a: {  	_ =	sdelay $0x1  }
0x24b: {  	s0 =	simm.s32 $0x8  }
0x24c: {  	[sflag:s0] =	ssyncpa.u1 $0x1;
	s0 =	simm.s32 $0x0  }
0x24d: {  	s3 =	simm.s32 $0xA118  }
0x24e: {  	v0 =	vld.msk [tilespmem:s3+$0x0], $0x1;
	_ =	sdelay $0x4  }
0x24f: {  	(v2sf) =	vpush v0, $0x0;
	_ =	sdelay $0xe  }
0x250: {  	s2 =	sadd.s32 $0xFFFFFFFF, s2;
	s4 =	spop (v2sf)  }
0x251: {  	p2 =	sne.s32 s2, $0x0;
	p1 =	sgt.u32 s4, $0x40078  }
.Ltmp46:
0x252: {  	s5 =	sand.u32 @!p1 $0x7FFF8, s4;
	(pc) =	sbr.rel @!p2 .LBB2_58-.Ltmp46, $4  }
0x253: {  	s3 =	simm.s32 $0xA138;
	s4 =	sand.u32 @!p1 $0x7, s4;
	s5 =	sadd.s32 @!p1 s1, s5  }
0x254: {  	[hbm4b:s5+s4] =	stream.linear.scatter @!p1 [tilespmem:s3], [sflag:$0x7], $0x40, $0x38;
	[tilespmem:$0x1EF88] =	vst v63  }
0x255: {  	s5 =	simm.s32 $0x0  }
0x256: {  	s4 =	simm.s32 $0xA119;
	s5 =	simm.s32 @!p1 $0x100  }
.LBB2_57:
0x257: {  	v0 =	vld.msk [tilespmem:s4+$0x0], $0x1;
	s2 =	sadd.s32 $0xFFFFFFFF, s2;
	s0 =	sadd.s32 s0, s5  }
0x258: {  	p1 =	sne.s32 s2, $0x0;
	_ =	sdelay $0x3  }
0x259: {  	(v2sf) =	vpush v0, $0x0;
	_ =	sdelay $0xe  }
.Ltmp47:
0x25a: {  	s6 =	spop (v2sf);
	(pc) =	sbr.rel @p1 .LBB2_57-.Ltmp47, $4  }
0x25b: {  	s5 =	simm.s32 $0x0;
	p2 =	sgt.u32 s6, $0x40078  }
0x25c: {  	s3 =	sadd.s32 $0x40, s3;
	s5 =	simm.s32 @!p2 $0x100;
	s7 =	sand.u32 @!p2 $0x7FFF8, s6  }
0x25d: {  	s4 =	sadd.s32 $0x1, s4;
	s6 =	sand.u32 @!p2 $0x7, s6;
	s7 =	sadd.s32 @!p2 s1, s7  }
0x25e: {  	[hbm4b:s7+s6] =	stream.linear.scatter @!p2 [tilespmem:s3], [sflag:$0x7], $0x40, $0x38;
	[tilespmem:$0x1EF88] =	vst v63  }
.LBB2_58:
0x25f: {  	s0 =	sadd.s32 s0, s5  }
0x260: {  	s0 =	sshrl.u32 s0, $0x2  }
.LBB2_59:
0x261: {  	s1 =	simm.s32 $0x7  }
0x262: {  	_ =	swait.ge [sflag:s1], s0  }
0x263: {  	s31 =	ssub.s32 $0x0, s0;
	[sflag:s1] =	ssyncset.done $0x0  }
0x264: {  	[sflag:s1] =	ssyncadd.s32 s31  }
0x265: {  	[sflag:s1] =	ssyncpa.u1 $0x1  }
.LBB2_60:
0x266: {  	_ =	sfence;
	s0 =	simm.s32 $0x1  }
0x267: {  	[sflag:s0] =	ssyncpa.u1 $0x1  }
0x268: {  	_ =	strace $0x90000047  }
0x269: {  	[bflag:$0x2] =	sbarrier.arrive $0xFFFF  }
0x26a: {  	s0 =	rddreg [dreg:$0x4]  }
0x26b: {  	s0 =	sadd.s32 @!p0 $0x100000, s0  }
0x26c: {  	[sflag:s0] =	ssyncadd.tile.s32 @!p0 $0x1;
	_ =	shalt  }
.Lfunc_end2:
_tile_overlayer_lowered:
.L_overlay_start_2:
0x26d: {  	(tag) =	ssettag $0x2  }
0x26e: {  	s0 =	rddreg [dreg:$0x0];
	s2 =	stileid.u32  }
0x26f: {  	s1 =	rddreg [dreg:$0x1];
	p0 =	sne.s32 s2, $0x0  }
0x270: {  	s3 =	rddreg [dreg:$0x2];
	[bflag:$0x3] =	sbarrier.arrive $0xFFFF;
	s2 =	simm.s32 @!p0 $0x1C01  }
0x271: {  	[timem:s3], [sflag:s2] =	dma.local @!p0 [hbm:s0], s1  }
0x272: {  	s0 =	simm.s32 @!p0 $0x1  }
0x273: {  	_ =	swait.ge @!p0 [sflag:s0], s1  }
0x274: {  	s1 =	ssub.s32 @!p0 $0x0, s1;
	[sflag:s0] =	ssyncset.done @!p0 $0x0  }
0x275: {  	[sflag:s0] =	ssyncadd.s32 @!p0 s1  }
0x276: {  	[bflag:$0x3] =	sbarrier.arrive $0xFFFF  }
0x277: {  	_ =	shalt  }

</sc_bundles>
